<compile_context>
chip_gen: v7x
topology: tpu7x:2x2x1
jax: 0.10.2.dev20260603
libtpu: 0.0.44.dev20260713+nightly
codegen_flags: <defaults>
</compile_context>

<pallas_src>
import functools

import jax
import jax.numpy as jnp
from jax import lax
from jax.experimental import pallas as pl
from jax.experimental.pallas import tpu as pltpu
from jax.experimental.pallas import tpu_sc as plsc

_NC = 2
_NS = 16
_NW = _NC * _NS


def _edge_plan(n, e, ch, nbuf=2):
    ept = e // _NW
    ngroups = ept // ch // nbuf
    npre = ngroups * nbuf * ch
    tail = ept - npre
    rpt = -(-(n // _NS) // 8) * 8
    return ept, nbuf, ngroups, npre, tail, rpt, rpt * _NS


def _sc_aggregate(row, col, feat, zacc, n, e, d, ch, nbuf):
    ept, nbuf, ngroups, npre, tail, rpt, n_pad = _edge_plan(n, e, ch, nbuf)
    mesh = plsc.VectorSubcoreMesh(
        core_axis_name="c", subcore_axis_name="s",
        num_cores=_NC, num_subcores=_NS)

    @functools.partial(
        pl.kernel,
        out_type=jax.ShapeDtypeStruct((_NC, n_pad, d), jnp.float32),
        mesh=mesh,
        scratch_types=[
            pltpu.VMEM((ept,), jnp.int32),
            [pltpu.VMEM((ch,), jnp.int32) for _ in range(nbuf)],
            [pltpu.VMEM((ch, d), jnp.float32) for _ in range(nbuf)],
            pltpu.VMEM((tail,), jnp.int32),
            pltpu.VMEM_SHARED((n_pad, d), jnp.float32),
            [pltpu.SemaphoreType.DMA for _ in range(nbuf)],
            [pltpu.SemaphoreType.DMA for _ in range(nbuf)],
            pltpu.SemaphoreType.DMA,
        ],
    )
    def sc_kernel(row_h, col_h, feat_h, zacc_h, acc_out,
                  row_all, col_bufs, rows_bufs, tcol,
                  acc_sh, sems_c, sems_g, sem_b):
        c = lax.axis_index("c")
        s = lax.axis_index("s")
        wid = s * _NC + c
        base = wid * ept
        pltpu.async_copy(row_h.at[pl.ds(base, ept)], row_all, sem_b)
        r0 = s * rpt
        pltpu.sync_copy(zacc_h, acc_sh.at[pl.ds(r0, rpt)])
        pltpu.make_async_copy(row_h.at[pl.ds(base, ept)], row_all, sem_b).wait()
        plsc.subcore_barrier()

        def issue(j, b):
            pltpu.async_copy(col_h.at[pl.ds(base + j * ch, ch)],
                             col_bufs[b], sems_c[b])
            pltpu.async_copy(feat_h.at[row_all.at[pl.ds(j * ch, ch)]],
                             rows_bufs[b], sems_g[b])

        def drain(j, b):
            pltpu.make_async_copy(col_h.at[pl.ds(base + j * ch, ch)],
                                  col_bufs[b], sems_c[b]).wait()
            pltpu.make_async_copy(feat_h.at[row_all.at[pl.ds(j * ch, ch)]],
                                  rows_bufs[b], sems_g[b]).wait()

        for b in range(nbuf):
            issue(b, b)

        def group(g, carry):
            for b in range(nbuf):
                j = g * nbuf + b
                drain(j, b)
                pltpu.sync_copy(rows_bufs[b], acc_sh.at[col_bufs[b]], add=True)
                jn = j + nbuf

                @pl.when(jn * ch < npre)
                def _():
                    issue(jn, b)
            return carry

        lax.fori_loop(0, ngroups, group, 0)

        if tail:
            trows = rows_bufs[0].at[pl.ds(0, tail)]
            pltpu.async_copy(col_h.at[pl.ds(base + npre, tail)], tcol, sem_b)
            pltpu.async_copy(feat_h.at[row_all.at[pl.ds(npre, tail)]],
                             trows, sems_g[0])
            pltpu.make_async_copy(col_h.at[pl.ds(base + npre, tail)],
                                  tcol, sem_b).wait()
            pltpu.make_async_copy(feat_h.at[row_all.at[pl.ds(npre, tail)]],
                                  trows, sems_g[0]).wait()
            pltpu.sync_copy(trows, acc_sh.at[tcol], add=True)

        plsc.subcore_barrier()
        pltpu.sync_copy(acc_sh.at[pl.ds(r0, rpt)],
                        acc_out.at[c, pl.ds(r0, rpt)])

    return sc_kernel(row, col, feat, zacc)


def _sc_degree(col, zacc, ones, n, e, d, ch):
    ept, nbuf, ngroups, npre, tail, rpt, n_pad = _edge_plan(n, e, ch)
    mesh = plsc.VectorSubcoreMesh(
        core_axis_name="c", subcore_axis_name="s",
        num_cores=_NC, num_subcores=_NS)

    @functools.partial(
        pl.kernel,
        out_type=jax.ShapeDtypeStruct((_NC, n_pad, d), jnp.float32),
        mesh=mesh,
        scratch_types=[
            [pltpu.VMEM((ch,), jnp.int32) for _ in range(nbuf)],
            pltpu.VMEM((ch, d), jnp.float32),
            pltpu.VMEM((tail,), jnp.int32),
            pltpu.VMEM_SHARED((n_pad, d), jnp.float32),
            [pltpu.SemaphoreType.DMA for _ in range(nbuf)],
        ],
    )
    def sc_kernel(col_h, zacc_h, ones_h, deg_out,
                  col_bufs, ones_v, tcol, deg_sh, sems_c):
        c = lax.axis_index("c")
        s = lax.axis_index("s")
        wid = s * _NC + c
        base = wid * ept
        r0 = s * rpt
        pltpu.sync_copy(zacc_h, deg_sh.at[pl.ds(r0, rpt)])
        pltpu.sync_copy(ones_h, ones_v)
        plsc.subcore_barrier()

        for b in range(nbuf):
            pltpu.async_copy(col_h.at[pl.ds(base + b * ch, ch)],
                             col_bufs[b], sems_c[b])

        def group(g, carry):
            for b in range(nbuf):
                j = g * nbuf + b
                pltpu.make_async_copy(col_h.at[pl.ds(base + j * ch, ch)],
                                      col_bufs[b], sems_c[b]).wait()
                pltpu.sync_copy(ones_v, deg_sh.at[col_bufs[b]], add=True)
                jn = j + nbuf

                @pl.when(jn * ch < npre)
                def _():
                    pltpu.async_copy(col_h.at[pl.ds(base + jn * ch, ch)],
                                     col_bufs[b], sems_c[b])
            return carry

        lax.fori_loop(0, ngroups, group, 0)

        if tail:
            pltpu.sync_copy(col_h.at[pl.ds(base + npre, tail)], tcol)
            pltpu.sync_copy(ones_v.at[pl.ds(0, tail)], deg_sh.at[tcol],
                            add=True)

        plsc.subcore_barrier()
        pltpu.sync_copy(deg_sh.at[pl.ds(r0, rpt)],
                        deg_out.at[c, pl.ds(r0, rpt)])

    return sc_kernel(col, zacc, ones)


def _final_tc(feat, wst, wnt, b2, acc, deg2, n, d, r):

    def body(x_ref, wst_ref, wnt_ref, b_ref, a0_ref, a1_ref, d0_ref, d1_ref,
             o_ref):
        x = x_ref[...]
        a = a0_ref[0] + a1_ref[0]
        deg = d0_ref[0, :, 0:1] + d1_ref[0, :, 0:1]
        dinv = jnp.where(deg > 0, 1.0 / deg, 0.0)
        o_ref[...] = (
            jnp.dot(x, wst_ref[...], preferred_element_type=jnp.float32)
            + jnp.dot(a * dinv, wnt_ref[...],
                      preferred_element_type=jnp.float32)
            + b_ref[...])

    return pl.pallas_call(
        body,
        grid=(n // r,),
        in_specs=[
            pl.BlockSpec((r, d), lambda i: (i, 0)),
            pl.BlockSpec((d, d), lambda i: (0, 0)),
            pl.BlockSpec((d, d), lambda i: (0, 0)),
            pl.BlockSpec((1, d), lambda i: (0, 0)),
            pl.BlockSpec((1, r, d), lambda i: (0, i, 0)),
            pl.BlockSpec((1, r, d), lambda i: (1, i, 0)),
            pl.BlockSpec((1, r, d), lambda i: (0, i, 0)),
            pl.BlockSpec((1, r, d), lambda i: (1, i, 0)),
        ],
        out_specs=pl.BlockSpec((r, d), lambda i: (i, 0)),
        out_shape=jax.ShapeDtypeStruct((n, d), jnp.float32),
    )(feat, wst, wnt, b2, acc, acc, deg2, deg2)


def kernel(feat, edge_index, W_neigh, W_self, b_self):
    n, d = feat.shape
    e = edge_index.shape[1]
    row = edge_index[0]
    col = edge_index[1]
    ch_a, ch_g = 64, 128
    rpt = _edge_plan(n, e, ch_a)[5]
    zacc = jnp.zeros((rpt, d), jnp.float32)
    ones = jnp.ones((ch_g, d), jnp.float32)
    acc = _sc_aggregate(row, col, feat, zacc, n, e, d, ch_a, 3)
    deg2 = _sc_degree(col, zacc, ones, n, e, d, ch_g)
    return _final_tc(feat, W_self.T, W_neigh.T, b_self.reshape(1, d),
                     acc, deg2, n, d, 2000)

# --- scband reference (transcript-rebuilt; emitter-appended) ---
"""Pipeline reference for scband-sageconv-27410481283335 (READ-ONLY COPY).

The authoritative reference and input builder live on the scoring server;
editing this copy changes nothing except your own understanding.
"""

import jax, jax.numpy as jnp
import numpy as np

N = 10000
E = 320000
D_IN = 128
D_OUT = 128


def setup_inputs(seed: int = 0) -> dict:
    key = jax.random.key(seed)
    k1, k2, k3, k4 = jax.random.split(key, 4)
    feat = jax.random.normal(k1, (N, D_IN), dtype=jnp.float32)
    edge_index = jax.random.randint(k2, (2, E), 0, N, dtype=jnp.int32)
    # xavier_uniform with gain = calculate_gain('relu') = sqrt(2)
    gain = float(np.sqrt(2.0))
    bound = gain * float(np.sqrt(6.0 / (D_IN + D_OUT)))
    W_neigh = jax.random.uniform(k3, (D_OUT, D_IN), minval=-bound, maxval=bound, dtype=jnp.float32)
    W_self = jax.random.uniform(k4, (D_OUT, D_IN), minval=-bound, maxval=bound, dtype=jnp.float32)
    b_self = jnp.zeros((D_OUT,), dtype=jnp.float32)
    return {"feat": feat, "edge_index": edge_index, "W_neigh": W_neigh, "W_self": W_self, "b_self": b_self}


def reference(feat, edge_index, W_neigh, W_self, b_self):
    # A is an N x N sparse COO matrix with A[row[e], col[e]] = 1 (coalesce sums duplicates,
    # which segment_sum reproduces naturally).
    row = edge_index[0]
    col = edge_index[1]
    # feat_src = feat; feat_dst = feat[:A.shape[1]] = feat (A square)
    srcdata = feat @ W_neigh.T  # fc_neigh (no bias)
    # D_hat = diag(A.sum(0)) ** -1 : in-degree of each column j
    deg = jax.ops.segment_sum(jnp.ones((E,), dtype=jnp.float32), col, num_segments=N)
    d_inv = jnp.where(deg > 0, 1.0 / deg, 0.0)
    # A_div = A @ D_hat scales column j by 1/deg[j]; dstdata = A_div.T @ srcdata
    # => dstdata[j] = (1/deg[j]) * sum_{e: col[e]=j} srcdata[row[e]]
    w_edge = d_inv[col]
    msgs = srcdata[row] * w_edge[:, None]
    dstdata = jax.ops.segment_sum(msgs, col, num_segments=N)
    rst = feat @ W_self.T + b_self + dstdata  # fc_self (with bias) + aggregated neighbors
    return rst

if __name__ == "__main__":
    import jax
    _d = setup_inputs()
    print(jax.jit(kernel)(*tuple(_d.values())))

</pallas_src>

<mosaic_0001>
#map = affine_map<(d0, d1) -> (0)>
#map1 = affine_map<(d0, d1) -> (0, 0)>
#map2 = affine_map<(d0, d1) -> (0, 0, 0)>
module attributes {stable_mosaic.version = 14 : i64} {
  func.func @sc_kernel(%arg0: i32, %arg1: i32, %arg2: memref<320000xi32, #tpu.memory_space<hbm>>, %arg3: memref<320000xi32, #tpu.memory_space<hbm>>, %arg4: memref<10000x128xf32, #tpu.memory_space<hbm>>, %arg5: memref<632x128xf32, #tpu.memory_space<hbm>>, %arg6: memref<2x10112x128xf32, #tpu.memory_space<hbm>>, %arg7: memref<10000xi32, #tpu.memory_space<vmem>>, %arg8: memref<64xi32, #tpu.memory_space<vmem>>, %arg9: memref<64xi32, #tpu.memory_space<vmem>>, %arg10: memref<64xi32, #tpu.memory_space<vmem>>, %arg11: memref<64x128xf32, #tpu.memory_space<vmem>>, %arg12: memref<64x128xf32, #tpu.memory_space<vmem>>, %arg13: memref<64x128xf32, #tpu.memory_space<vmem>>, %arg14: memref<16xi32, #tpu.memory_space<vmem>>, %arg15: memref<10112x128xf32, #tpu.memory_space<vmem_shared>>, %arg16: memref<!tpu.dma_semaphore, #tpu.memory_space<semaphore_mem>>, %arg17: memref<!tpu.dma_semaphore, #tpu.memory_space<semaphore_mem>>, %arg18: memref<!tpu.dma_semaphore, #tpu.memory_space<semaphore_mem>>, %arg19: memref<!tpu.dma_semaphore, #tpu.memory_space<semaphore_mem>>, %arg20: memref<!tpu.dma_semaphore, #tpu.memory_space<semaphore_mem>>, %arg21: memref<!tpu.dma_semaphore, #tpu.memory_space<semaphore_mem>>, %arg22: memref<!tpu.dma_semaphore, #tpu.memory_space<semaphore_mem>>) attributes {dimension_semantics = [#tpu.dimension_semantics<core_parallel>, #tpu.dimension_semantics<subcore_parallel>], iteration_bounds = array<i64: 2, 16>, scalar_prefetch = 0 : i64, scratch_operands = 16 : i64, tpu.core_type = #tpu.core_type<sc_vector_subcore>, window_params = [{transform_indices = #map}, {transform_indices = #map}, {transform_indices = #map1}, {transform_indices = #map1}, {transform_indices = #map2}]} {
    %mul3A = arith.constant 2 : i32
    %mul3A_0 = arith.muli %arg1, %mul3A : i32
    %add3A = arith.addi %mul3A_0, %arg0 : i32
    %mul3A_1 = arith.constant 10000 : i32
    %mul3A_2 = arith.muli %add3A, %mul3A_1 : i32
    %dma_start3A = tpu.memref_slice %arg2[%mul3A_2] : memref<320000xi32, #tpu.memory_space<hbm>> -> memref<10000xi32, #tpu.memory_space<hbm>>
    %dma_start3A_3 = tpu.memref_slice %arg2[%mul3A_2] : memref<320000xi32, #tpu.memory_space<hbm>> -> memref<10000xi32, #tpu.memory_space<hbm>>
    tpu.enqueue_dma source(%dma_start3A_3 : memref<10000xi32, #tpu.memory_space<hbm>>) target(%arg7 : memref<10000xi32, #tpu.memory_space<vmem>>) target_semaphore(%arg22 : memref<!tpu.dma_semaphore, #tpu.memory_space<semaphore_mem>>)
    %mul3A_4 = arith.constant 632 : i32
    %mul3A_5 = arith.muli %arg1, %mul3A_4 : i32
    "tpu.region"() ({
      %run_scoped3A = tpu.sem_alloc : memref<!tpu.dma_semaphore, #tpu.memory_space<semaphore_mem>>
      %dma_start3A_64 = arith.constant 0 : i32
      %dma_start3A_65 = tpu.memref_slice %arg15[%mul3A_5, %dma_start3A_64] : memref<10112x128xf32, #tpu.memory_space<vmem_shared>> -> memref<632x128xf32, #tpu.memory_space<vmem_shared>>
      tpu.enqueue_dma source(%arg5 : memref<632x128xf32, #tpu.memory_space<hbm>>) target(%dma_start3A_65 : memref<632x128xf32, #tpu.memory_space<vmem_shared>>) target_semaphore(%run_scoped3A : memref<!tpu.dma_semaphore, #tpu.memory_space<semaphore_mem>>)
      %dma_wait3A_66 = arith.constant 0 : i32
      %dma_wait3A_67 = tpu.memref_slice %arg15[%mul3A_5, %dma_wait3A_66] : memref<10112x128xf32, #tpu.memory_space<vmem_shared>> -> memref<632x128xf32, #tpu.memory_space<vmem_shared>>
      tpu.wait_dma2 semaphore(%run_scoped3A : memref<!tpu.dma_semaphore, #tpu.memory_space<semaphore_mem>>) src(%arg5 : memref<632x128xf32, #tpu.memory_space<hbm>>) dst(%dma_wait3A_67 : memref<632x128xf32, #tpu.memory_space<vmem_shared>>)
      tpu.yield
    }) : () -> ()
    %dma_wait3A = tpu.memref_slice %arg2[%mul3A_2] : memref<320000xi32, #tpu.memory_space<hbm>> -> memref<10000xi32, #tpu.memory_space<hbm>>
    %dma_wait3A_6 = tpu.memref_slice %arg2[%mul3A_2] : memref<320000xi32, #tpu.memory_space<hbm>> -> memref<10000xi32, #tpu.memory_space<hbm>>
    tpu.wait_dma2 semaphore(%arg22 : memref<!tpu.dma_semaphore, #tpu.memory_space<semaphore_mem>>) src(%dma_wait3A_6 : memref<10000xi32, #tpu.memory_space<hbm>>) dst(%arg7 : memref<10000xi32, #tpu.memory_space<vmem>>)
    %barrier3A = arith.constant 0 : index
    tpu.barrier barrier_id(%barrier3A)
    %add3A_7 = arith.constant 0 : i32
    %add3A_8 = arith.addi %mul3A_2, %add3A_7 : i32
    %dma_start3A_9 = tpu.memref_slice %arg3[%add3A_8] : memref<320000xi32, #tpu.memory_space<hbm>> -> memref<64xi32, #tpu.memory_space<hbm>>
    %dma_start3A_10 = tpu.memref_slice %arg3[%add3A_8] : memref<320000xi32, #tpu.memory_space<hbm>> -> memref<64xi32, #tpu.memory_space<hbm>>
    tpu.enqueue_dma source(%dma_start3A_10 : memref<64xi32, #tpu.memory_space<hbm>>) target(%arg8 : memref<64xi32, #tpu.memory_space<vmem>>) target_semaphore(%arg16 : memref<!tpu.dma_semaphore, #tpu.memory_space<semaphore_mem>>)
    %dma_start3A_11 = arith.constant 0 : i32
    %dma_start3A_12 = tpu.memref_slice %arg7[%dma_start3A_11] : memref<10000xi32, #tpu.memory_space<vmem>> -> memref<64xi32, #tpu.memory_space<vmem>>
    %dma_start3A_13 = arith.constant 0 : i32
    %dma_start3A_14 = arith.constant 0 : i32
    %dma_start3A_15 = tpu.memref_slice %arg4[%dma_start3A_13, %dma_start3A_14] : memref<10000x128xf32, #tpu.memory_space<hbm>> -> memref<10000x128xf32, #tpu.memory_space<hbm>>
    tpu.enqueue_indirect_dma source(%dma_start3A_15 : memref<10000x128xf32, #tpu.memory_space<hbm>>) target(%arg11 : memref<64x128xf32, #tpu.memory_space<vmem>>) offsets(%dma_start3A_12 : memref<64xi32, #tpu.memory_space<vmem>>) semaphore(%arg19 : memref<!tpu.dma_semaphore, #tpu.memory_space<semaphore_mem>>)
    %add3A_16 = arith.constant 64 : i32
    %add3A_17 = arith.addi %mul3A_2, %add3A_16 : i32
    %dma_start3A_18 = tpu.memref_slice %arg3[%add3A_17] : memref<320000xi32, #tpu.memory_space<hbm>> -> memref<64xi32, #tpu.memory_space<hbm>>
    %dma_start3A_19 = tpu.memref_slice %arg3[%add3A_17] : memref<320000xi32, #tpu.memory_space<hbm>> -> memref<64xi32, #tpu.memory_space<hbm>>
    tpu.enqueue_dma source(%dma_start3A_19 : memref<64xi32, #tpu.memory_space<hbm>>) target(%arg9 : memref<64xi32, #tpu.memory_space<vmem>>) target_semaphore(%arg17 : memref<!tpu.dma_semaphore, #tpu.memory_space<semaphore_mem>>)
    %dma_start3A_20 = arith.constant 64 : i32
    %dma_start3A_21 = tpu.memref_slice %arg7[%dma_start3A_20] : memref<10000xi32, #tpu.memory_space<vmem>> -> memref<64xi32, #tpu.memory_space<vmem>>
    %dma_start3A_22 = arith.constant 0 : i32
    %dma_start3A_23 = arith.constant 0 : i32
    %dma_start3A_24 = tpu.memref_slice %arg4[%dma_start3A_22, %dma_start3A_23] : memref<10000x128xf32, #tpu.memory_space<hbm>> -> memref<10000x128xf32, #tpu.memory_space<hbm>>
    tpu.enqueue_indirect_dma source(%dma_start3A_24 : memref<10000x128xf32, #tpu.memory_space<hbm>>) target(%arg12 : memref<64x128xf32, #tpu.memory_space<vmem>>) offsets(%dma_start3A_21 : memref<64xi32, #tpu.memory_space<vmem>>) semaphore(%arg20 : memref<!tpu.dma_semaphore, #tpu.memory_space<semaphore_mem>>)
    %add3A_25 = arith.constant 128 : i32
    %add3A_26 = arith.addi %mul3A_2, %add3A_25 : i32
    %dma_start3A_27 = tpu.memref_slice %arg3[%add3A_26] : memref<320000xi32, #tpu.memory_space<hbm>> -> memref<64xi32, #tpu.memory_space<hbm>>
    %dma_start3A_28 = tpu.memref_slice %arg3[%add3A_26] : memref<320000xi32, #tpu.memory_space<hbm>> -> memref<64xi32, #tpu.memory_space<hbm>>
    tpu.enqueue_dma source(%dma_start3A_28 : memref<64xi32, #tpu.memory_space<hbm>>) target(%arg10 : memref<64xi32, #tpu.memory_space<vmem>>) target_semaphore(%arg18 : memref<!tpu.dma_semaphore, #tpu.memory_space<semaphore_mem>>)
    %dma_start3A_29 = arith.constant 128 : i32
    %dma_start3A_30 = tpu.memref_slice %arg7[%dma_start3A_29] : memref<10000xi32, #tpu.memory_space<vmem>> -> memref<64xi32, #tpu.memory_space<vmem>>
    %dma_start3A_31 = arith.constant 0 : i32
    %dma_start3A_32 = arith.constant 0 : i32
    %dma_start3A_33 = tpu.memref_slice %arg4[%dma_start3A_31, %dma_start3A_32] : memref<10000x128xf32, #tpu.memory_space<hbm>> -> memref<10000x128xf32, #tpu.memory_space<hbm>>
    tpu.enqueue_indirect_dma source(%dma_start3A_33 : memref<10000x128xf32, #tpu.memory_space<hbm>>) target(%arg13 : memref<64x128xf32, #tpu.memory_space<vmem>>) offsets(%dma_start3A_30 : memref<64xi32, #tpu.memory_space<vmem>>) semaphore(%arg21 : memref<!tpu.dma_semaphore, #tpu.memory_space<semaphore_mem>>)
    %scan3A = arith.constant 0 : i32
    %scan3A_34 = arith.constant 0 : i32
    %scan3A_35 = arith.constant 52 : i32
    %scan3A_36 = arith.addi %scan3A_34, %scan3A_35 : i32
    %scan3A_37 = arith.constant 1 : i32
    scf.for %scan3A_64 = %scan3A_34 to %scan3A_36 step %scan3A_37  : i32 {
      %mul3A_65 = arith.constant 3 : i32
      %mul3A_66 = arith.muli %scan3A_64, %mul3A_65 : i32
      %add3A_67 = arith.constant 0 : i32
      %add3A_68 = arith.addi %mul3A_66, %add3A_67 : i32
      %mul3A_69 = arith.constant 64 : i32
      %mul3A_70 = arith.muli %add3A_68, %mul3A_69 : i32
      %add3A_71 = arith.addi %mul3A_2, %mul3A_70 : i32
      %dma_wait3A_72 = tpu.memref_slice %arg3[%add3A_71] : memref<320000xi32, #tpu.memory_space<hbm>> -> memref<64xi32, #tpu.memory_space<hbm>>
      %dma_wait3A_73 = tpu.memref_slice %arg3[%add3A_71] : memref<320000xi32, #tpu.memory_space<hbm>> -> memref<64xi32, #tpu.memory_space<hbm>>
      tpu.wait_dma2 semaphore(%arg16 : memref<!tpu.dma_semaphore, #tpu.memory_space<semaphore_mem>>) src(%dma_wait3A_73 : memref<64xi32, #tpu.memory_space<hbm>>) dst(%arg8 : memref<64xi32, #tpu.memory_space<vmem>>)
      %mul3A_74 = arith.constant 64 : i32
      %mul3A_75 = arith.muli %add3A_68, %mul3A_74 : i32
      %dma_wait3A_76 = tpu.memref_slice %arg7[%mul3A_75] : memref<10000xi32, #tpu.memory_space<vmem>> -> memref<64xi32, #tpu.memory_space<vmem>>
      %dma_wait3A_77 = arith.constant 0 : i32
      %dma_wait3A_78 = arith.constant 0 : i32
      %dma_wait3A_79 = tpu.memref_slice %arg4[%dma_wait3A_77, %dma_wait3A_78] : memref<10000x128xf32, #tpu.memory_space<hbm>> -> memref<10000x128xf32, #tpu.memory_space<hbm>>
      tpu.wait_indirect_dma semaphore(%arg19 : memref<!tpu.dma_semaphore, #tpu.memory_space<semaphore_mem>>) src(%dma_wait3A_79 : memref<10000x128xf32, #tpu.memory_space<hbm>>) dst(%arg11 : memref<64x128xf32, #tpu.memory_space<vmem>>)
      "tpu.region"() ({
        %run_scoped3A = tpu.sem_alloc : memref<!tpu.dma_semaphore, #tpu.memory_space<semaphore_mem>>
        %dma_start3A_134 = arith.constant 0 : i32
        %dma_start3A_135 = arith.constant 0 : i32
        %dma_start3A_136 = tpu.memref_slice %arg15[%dma_start3A_134, %dma_start3A_135] : memref<10112x128xf32, #tpu.memory_space<vmem_shared>> -> memref<10112x128xf32, #tpu.memory_space<vmem_shared>>
        tpu.enqueue_indirect_dma source(%arg11 : memref<64x128xf32, #tpu.memory_space<vmem>>) target(%dma_start3A_136 : memref<10112x128xf32, #tpu.memory_space<vmem_shared>>) offsets(%arg8 : memref<64xi32, #tpu.memory_space<vmem>>) semaphore(%run_scoped3A : memref<!tpu.dma_semaphore, #tpu.memory_space<semaphore_mem>>) {add = true}
        %dma_wait3A_137 = arith.constant 0 : i32
        %dma_wait3A_138 = arith.constant 0 : i32
        %dma_wait3A_139 = tpu.memref_slice %arg15[%dma_wait3A_137, %dma_wait3A_138] : memref<10112x128xf32, #tpu.memory_space<vmem_shared>> -> memref<10112x128xf32, #tpu.memory_space<vmem_shared>>
        tpu.wait_indirect_dma semaphore(%run_scoped3A : memref<!tpu.dma_semaphore, #tpu.memory_space<semaphore_mem>>) src(%arg11 : memref<64x128xf32, #tpu.memory_space<vmem>>) dst(%dma_wait3A_139 : memref<10112x128xf32, #tpu.memory_space<vmem_shared>>)
        tpu.yield
      }) : () -> ()
      %add3A_80 = arith.constant 3 : i32
      %add3A_81 = arith.addi %add3A_68, %add3A_80 : i32
      %mul3A_82 = arith.constant 64 : i32
      %mul3A_83 = arith.muli %add3A_81, %mul3A_82 : i32
      %lt3A = arith.constant 9984 : i32
      %lt3A_84 = arith.cmpi slt, %mul3A_83, %lt3A : i32
      %convert_element_type3A = arith.extui %lt3A_84 : i1 to i32
      %cond3A = arith.constant 0 : i32
      %cond3A_85 = arith.cmpi ne, %convert_element_type3A, %cond3A : i32
      scf.if %cond3A_85 {
        %mul3A_134 = arith.constant 64 : i32
        %mul3A_135 = arith.muli %add3A_81, %mul3A_134 : i32
        %add3A_136 = arith.addi %mul3A_2, %mul3A_135 : i32
        %dma_start3A_137 = tpu.memref_slice %arg3[%add3A_136] : memref<320000xi32, #tpu.memory_space<hbm>> -> memref<64xi32, #tpu.memory_space<hbm>>
        %dma_start3A_138 = tpu.memref_slice %arg3[%add3A_136] : memref<320000xi32, #tpu.memory_space<hbm>> -> memref<64xi32, #tpu.memory_space<hbm>>
        tpu.enqueue_dma source(%dma_start3A_138 : memref<64xi32, #tpu.memory_space<hbm>>) target(%arg8 : memref<64xi32, #tpu.memory_space<vmem>>) target_semaphore(%arg16 : memref<!tpu.dma_semaphore, #tpu.memory_space<semaphore_mem>>)
        %mul3A_139 = arith.constant 64 : i32
        %mul3A_140 = arith.muli %add3A_81, %mul3A_139 : i32
        %dma_start3A_141 = tpu.memref_slice %arg7[%mul3A_140] : memref<10000xi32, #tpu.memory_space<vmem>> -> memref<64xi32, #tpu.memory_space<vmem>>
        %dma_start3A_142 = arith.constant 0 : i32
        %dma_start3A_143 = arith.constant 0 : i32
        %dma_start3A_144 = tpu.memref_slice %arg4[%dma_start3A_142, %dma_start3A_143] : memref<10000x128xf32, #tpu.memory_space<hbm>> -> memref<10000x128xf32, #tpu.memory_space<hbm>>
        tpu.enqueue_indirect_dma source(%dma_start3A_144 : memref<10000x128xf32, #tpu.memory_space<hbm>>) target(%arg11 : memref<64x128xf32, #tpu.memory_space<vmem>>) offsets(%dma_start3A_141 : memref<64xi32, #tpu.memory_space<vmem>>) semaphore(%arg19 : memref<!tpu.dma_semaphore, #tpu.memory_space<semaphore_mem>>)
      } else {
      }
      %mul3A_86 = arith.constant 3 : i32
      %mul3A_87 = arith.muli %scan3A_64, %mul3A_86 : i32
      %add3A_88 = arith.constant 1 : i32
      %add3A_89 = arith.addi %mul3A_87, %add3A_88 : i32
      %mul3A_90 = arith.constant 64 : i32
      %mul3A_91 = arith.muli %add3A_89, %mul3A_90 : i32
      %add3A_92 = arith.addi %mul3A_2, %mul3A_91 : i32
      %dma_wait3A_93 = tpu.memref_slice %arg3[%add3A_92] : memref<320000xi32, #tpu.memory_space<hbm>> -> memref<64xi32, #tpu.memory_space<hbm>>
      %dma_wait3A_94 = tpu.memref_slice %arg3[%add3A_92] : memref<320000xi32, #tpu.memory_space<hbm>> -> memref<64xi32, #tpu.memory_space<hbm>>
      tpu.wait_dma2 semaphore(%arg17 : memref<!tpu.dma_semaphore, #tpu.memory_space<semaphore_mem>>) src(%dma_wait3A_94 : memref<64xi32, #tpu.memory_space<hbm>>) dst(%arg9 : memref<64xi32, #tpu.memory_space<vmem>>)
      %mul3A_95 = arith.constant 64 : i32
      %mul3A_96 = arith.muli %add3A_89, %mul3A_95 : i32
      %dma_wait3A_97 = tpu.memref_slice %arg7[%mul3A_96] : memref<10000xi32, #tpu.memory_space<vmem>> -> memref<64xi32, #tpu.memory_space<vmem>>
      %dma_wait3A_98 = arith.constant 0 : i32
      %dma_wait3A_99 = arith.constant 0 : i32
      %dma_wait3A_100 = tpu.memref_slice %arg4[%dma_wait3A_98, %dma_wait3A_99] : memref<10000x128xf32, #tpu.memory_space<hbm>> -> memref<10000x128xf32, #tpu.memory_space<hbm>>
      tpu.wait_indirect_dma semaphore(%arg20 : memref<!tpu.dma_semaphore, #tpu.memory_space<semaphore_mem>>) src(%dma_wait3A_100 : memref<10000x128xf32, #tpu.memory_space<hbm>>) dst(%arg12 : memref<64x128xf32, #tpu.memory_space<vmem>>)
      "tpu.region"() ({
        %run_scoped3A = tpu.sem_alloc : memref<!tpu.dma_semaphore, #tpu.memory_space<semaphore_mem>>
        %dma_start3A_134 = arith.constant 0 : i32
        %dma_start3A_135 = arith.constant 0 : i32
        %dma_start3A_136 = tpu.memref_slice %arg15[%dma_start3A_134, %dma_start3A_135] : memref<10112x128xf32, #tpu.memory_space<vmem_shared>> -> memref<10112x128xf32, #tpu.memory_space<vmem_shared>>
        tpu.enqueue_indirect_dma source(%arg12 : memref<64x128xf32, #tpu.memory_space<vmem>>) target(%dma_start3A_136 : memref<10112x128xf32, #tpu.memory_space<vmem_shared>>) offsets(%arg9 : memref<64xi32, #tpu.memory_space<vmem>>) semaphore(%run_scoped3A : memref<!tpu.dma_semaphore, #tpu.memory_space<semaphore_mem>>) {add = true}
        %dma_wait3A_137 = arith.constant 0 : i32
        %dma_wait3A_138 = arith.constant 0 : i32
        %dma_wait3A_139 = tpu.memref_slice %arg15[%dma_wait3A_137, %dma_wait3A_138] : memref<10112x128xf32, #tpu.memory_space<vmem_shared>> -> memref<10112x128xf32, #tpu.memory_space<vmem_shared>>
        tpu.wait_indirect_dma semaphore(%run_scoped3A : memref<!tpu.dma_semaphore, #tpu.memory_space<semaphore_mem>>) src(%arg12 : memref<64x128xf32, #tpu.memory_space<vmem>>) dst(%dma_wait3A_139 : memref<10112x128xf32, #tpu.memory_space<vmem_shared>>)
        tpu.yield
      }) : () -> ()
      %add3A_101 = arith.constant 3 : i32
      %add3A_102 = arith.addi %add3A_89, %add3A_101 : i32
      %mul3A_103 = arith.constant 64 : i32
      %mul3A_104 = arith.muli %add3A_102, %mul3A_103 : i32
      %lt3A_105 = arith.constant 9984 : i32
      %lt3A_106 = arith.cmpi slt, %mul3A_104, %lt3A_105 : i32
      %convert_element_type3A_107 = arith.extui %lt3A_106 : i1 to i32
      %cond3A_108 = arith.constant 0 : i32
      %cond3A_109 = arith.cmpi ne, %convert_element_type3A_107, %cond3A_108 : i32
      scf.if %cond3A_109 {
        %mul3A_134 = arith.constant 64 : i32
        %mul3A_135 = arith.muli %add3A_102, %mul3A_134 : i32
        %add3A_136 = arith.addi %mul3A_2, %mul3A_135 : i32
        %dma_start3A_137 = tpu.memref_slice %arg3[%add3A_136] : memref<320000xi32, #tpu.memory_space<hbm>> -> memref<64xi32, #tpu.memory_space<hbm>>
        %dma_start3A_138 = tpu.memref_slice %arg3[%add3A_136] : memref<320000xi32, #tpu.memory_space<hbm>> -> memref<64xi32, #tpu.memory_space<hbm>>
        tpu.enqueue_dma source(%dma_start3A_138 : memref<64xi32, #tpu.memory_space<hbm>>) target(%arg9 : memref<64xi32, #tpu.memory_space<vmem>>) target_semaphore(%arg17 : memref<!tpu.dma_semaphore, #tpu.memory_space<semaphore_mem>>)
        %mul3A_139 = arith.constant 64 : i32
        %mul3A_140 = arith.muli %add3A_102, %mul3A_139 : i32
        %dma_start3A_141 = tpu.memref_slice %arg7[%mul3A_140] : memref<10000xi32, #tpu.memory_space<vmem>> -> memref<64xi32, #tpu.memory_space<vmem>>
        %dma_start3A_142 = arith.constant 0 : i32
        %dma_start3A_143 = arith.constant 0 : i32
        %dma_start3A_144 = tpu.memref_slice %arg4[%dma_start3A_142, %dma_start3A_143] : memref<10000x128xf32, #tpu.memory_space<hbm>> -> memref<10000x128xf32, #tpu.memory_space<hbm>>
        tpu.enqueue_indirect_dma source(%dma_start3A_144 : memref<10000x128xf32, #tpu.memory_space<hbm>>) target(%arg12 : memref<64x128xf32, #tpu.memory_space<vmem>>) offsets(%dma_start3A_141 : memref<64xi32, #tpu.memory_space<vmem>>) semaphore(%arg20 : memref<!tpu.dma_semaphore, #tpu.memory_space<semaphore_mem>>)
      } else {
      }
      %mul3A_110 = arith.constant 3 : i32
      %mul3A_111 = arith.muli %scan3A_64, %mul3A_110 : i32
      %add3A_112 = arith.constant 2 : i32
      %add3A_113 = arith.addi %mul3A_111, %add3A_112 : i32
      %mul3A_114 = arith.constant 64 : i32
      %mul3A_115 = arith.muli %add3A_113, %mul3A_114 : i32
      %add3A_116 = arith.addi %mul3A_2, %mul3A_115 : i32
      %dma_wait3A_117 = tpu.memref_slice %arg3[%add3A_116] : memref<320000xi32, #tpu.memory_space<hbm>> -> memref<64xi32, #tpu.memory_space<hbm>>
      %dma_wait3A_118 = tpu.memref_slice %arg3[%add3A_116] : memref<320000xi32, #tpu.memory_space<hbm>> -> memref<64xi32, #tpu.memory_space<hbm>>
      tpu.wait_dma2 semaphore(%arg18 : memref<!tpu.dma_semaphore, #tpu.memory_space<semaphore_mem>>) src(%dma_wait3A_118 : memref<64xi32, #tpu.memory_space<hbm>>) dst(%arg10 : memref<64xi32, #tpu.memory_space<vmem>>)
      %mul3A_119 = arith.constant 64 : i32
      %mul3A_120 = arith.muli %add3A_113, %mul3A_119 : i32
      %dma_wait3A_121 = tpu.memref_slice %arg7[%mul3A_120] : memref<10000xi32, #tpu.memory_space<vmem>> -> memref<64xi32, #tpu.memory_space<vmem>>
      %dma_wait3A_122 = arith.constant 0 : i32
      %dma_wait3A_123 = arith.constant 0 : i32
      %dma_wait3A_124 = tpu.memref_slice %arg4[%dma_wait3A_122, %dma_wait3A_123] : memref<10000x128xf32, #tpu.memory_space<hbm>> -> memref<10000x128xf32, #tpu.memory_space<hbm>>
      tpu.wait_indirect_dma semaphore(%arg21 : memref<!tpu.dma_semaphore, #tpu.memory_space<semaphore_mem>>) src(%dma_wait3A_124 : memref<10000x128xf32, #tpu.memory_space<hbm>>) dst(%arg13 : memref<64x128xf32, #tpu.memory_space<vmem>>)
      "tpu.region"() ({
        %run_scoped3A = tpu.sem_alloc : memref<!tpu.dma_semaphore, #tpu.memory_space<semaphore_mem>>
        %dma_start3A_134 = arith.constant 0 : i32
        %dma_start3A_135 = arith.constant 0 : i32
        %dma_start3A_136 = tpu.memref_slice %arg15[%dma_start3A_134, %dma_start3A_135] : memref<10112x128xf32, #tpu.memory_space<vmem_shared>> -> memref<10112x128xf32, #tpu.memory_space<vmem_shared>>
        tpu.enqueue_indirect_dma source(%arg13 : memref<64x128xf32, #tpu.memory_space<vmem>>) target(%dma_start3A_136 : memref<10112x128xf32, #tpu.memory_space<vmem_shared>>) offsets(%arg10 : memref<64xi32, #tpu.memory_space<vmem>>) semaphore(%run_scoped3A : memref<!tpu.dma_semaphore, #tpu.memory_space<semaphore_mem>>) {add = true}
        %dma_wait3A_137 = arith.constant 0 : i32
        %dma_wait3A_138 = arith.constant 0 : i32
        %dma_wait3A_139 = tpu.memref_slice %arg15[%dma_wait3A_137, %dma_wait3A_138] : memref<10112x128xf32, #tpu.memory_space<vmem_shared>> -> memref<10112x128xf32, #tpu.memory_space<vmem_shared>>
        tpu.wait_indirect_dma semaphore(%run_scoped3A : memref<!tpu.dma_semaphore, #tpu.memory_space<semaphore_mem>>) src(%arg13 : memref<64x128xf32, #tpu.memory_space<vmem>>) dst(%dma_wait3A_139 : memref<10112x128xf32, #tpu.memory_space<vmem_shared>>)
        tpu.yield
      }) : () -> ()
      %add3A_125 = arith.constant 3 : i32
      %add3A_126 = arith.addi %add3A_113, %add3A_125 : i32
      %mul3A_127 = arith.constant 64 : i32
      %mul3A_128 = arith.muli %add3A_126, %mul3A_127 : i32
      %lt3A_129 = arith.constant 9984 : i32
      %lt3A_130 = arith.cmpi slt, %mul3A_128, %lt3A_129 : i32
      %convert_element_type3A_131 = arith.extui %lt3A_130 : i1 to i32
      %cond3A_132 = arith.constant 0 : i32
      %cond3A_133 = arith.cmpi ne, %convert_element_type3A_131, %cond3A_132 : i32
      scf.if %cond3A_133 {
        %mul3A_134 = arith.constant 64 : i32
        %mul3A_135 = arith.muli %add3A_126, %mul3A_134 : i32
        %add3A_136 = arith.addi %mul3A_2, %mul3A_135 : i32
        %dma_start3A_137 = tpu.memref_slice %arg3[%add3A_136] : memref<320000xi32, #tpu.memory_space<hbm>> -> memref<64xi32, #tpu.memory_space<hbm>>
        %dma_start3A_138 = tpu.memref_slice %arg3[%add3A_136] : memref<320000xi32, #tpu.memory_space<hbm>> -> memref<64xi32, #tpu.memory_space<hbm>>
        tpu.enqueue_dma source(%dma_start3A_138 : memref<64xi32, #tpu.memory_space<hbm>>) target(%arg10 : memref<64xi32, #tpu.memory_space<vmem>>) target_semaphore(%arg18 : memref<!tpu.dma_semaphore, #tpu.memory_space<semaphore_mem>>)
        %mul3A_139 = arith.constant 64 : i32
        %mul3A_140 = arith.muli %add3A_126, %mul3A_139 : i32
        %dma_start3A_141 = tpu.memref_slice %arg7[%mul3A_140] : memref<10000xi32, #tpu.memory_space<vmem>> -> memref<64xi32, #tpu.memory_space<vmem>>
        %dma_start3A_142 = arith.constant 0 : i32
        %dma_start3A_143 = arith.constant 0 : i32
        %dma_start3A_144 = tpu.memref_slice %arg4[%dma_start3A_142, %dma_start3A_143] : memref<10000x128xf32, #tpu.memory_space<hbm>> -> memref<10000x128xf32, #tpu.memory_space<hbm>>
        tpu.enqueue_indirect_dma source(%dma_start3A_144 : memref<10000x128xf32, #tpu.memory_space<hbm>>) target(%arg13 : memref<64x128xf32, #tpu.memory_space<vmem>>) offsets(%dma_start3A_141 : memref<64xi32, #tpu.memory_space<vmem>>) semaphore(%arg21 : memref<!tpu.dma_semaphore, #tpu.memory_space<semaphore_mem>>)
      } else {
      }
    }
    %scan3A_38 = arith.constant 52 : i32
    %add3A_39 = arith.constant 9984 : i32
    %add3A_40 = arith.addi %mul3A_2, %add3A_39 : i32
    %dma_start3A_41 = tpu.memref_slice %arg3[%add3A_40] : memref<320000xi32, #tpu.memory_space<hbm>> -> memref<16xi32, #tpu.memory_space<hbm>>
    %dma_start3A_42 = tpu.memref_slice %arg3[%add3A_40] : memref<320000xi32, #tpu.memory_space<hbm>> -> memref<16xi32, #tpu.memory_space<hbm>>
    tpu.enqueue_dma source(%dma_start3A_42 : memref<16xi32, #tpu.memory_space<hbm>>) target(%arg14 : memref<16xi32, #tpu.memory_space<vmem>>) target_semaphore(%arg22 : memref<!tpu.dma_semaphore, #tpu.memory_space<semaphore_mem>>)
    %dma_start3A_43 = arith.constant 0 : i32
    %dma_start3A_44 = arith.constant 0 : i32
    %dma_start3A_45 = tpu.memref_slice %arg11[%dma_start3A_43, %dma_start3A_44] : memref<64x128xf32, #tpu.memory_space<vmem>> -> memref<16x128xf32, #tpu.memory_space<vmem>>
    %dma_start3A_46 = arith.constant 9984 : i32
    %dma_start3A_47 = tpu.memref_slice %arg7[%dma_start3A_46] : memref<10000xi32, #tpu.memory_space<vmem>> -> memref<16xi32, #tpu.memory_space<vmem>>
    %dma_start3A_48 = arith.constant 0 : i32
    %dma_start3A_49 = arith.constant 0 : i32
    %dma_start3A_50 = tpu.memref_slice %arg4[%dma_start3A_48, %dma_start3A_49] : memref<10000x128xf32, #tpu.memory_space<hbm>> -> memref<10000x128xf32, #tpu.memory_space<hbm>>
    tpu.enqueue_indirect_dma source(%dma_start3A_50 : memref<10000x128xf32, #tpu.memory_space<hbm>>) target(%dma_start3A_45 : memref<16x128xf32, #tpu.memory_space<vmem>>) offsets(%dma_start3A_47 : memref<16xi32, #tpu.memory_space<vmem>>) semaphore(%arg19 : memref<!tpu.dma_semaphore, #tpu.memory_space<semaphore_mem>>)
    %add3A_51 = arith.constant 9984 : i32
    %add3A_52 = arith.addi %mul3A_2, %add3A_51 : i32
    %dma_wait3A_53 = tpu.memref_slice %arg3[%add3A_52] : memref<320000xi32, #tpu.memory_space<hbm>> -> memref<16xi32, #tpu.memory_space<hbm>>
    %dma_wait3A_54 = tpu.memref_slice %arg3[%add3A_52] : memref<320000xi32, #tpu.memory_space<hbm>> -> memref<16xi32, #tpu.memory_space<hbm>>
    tpu.wait_dma2 semaphore(%arg22 : memref<!tpu.dma_semaphore, #tpu.memory_space<semaphore_mem>>) src(%dma_wait3A_54 : memref<16xi32, #tpu.memory_space<hbm>>) dst(%arg14 : memref<16xi32, #tpu.memory_space<vmem>>)
    %dma_wait3A_55 = arith.constant 0 : i32
    %dma_wait3A_56 = arith.constant 0 : i32
    %dma_wait3A_57 = tpu.memref_slice %arg11[%dma_wait3A_55, %dma_wait3A_56] : memref<64x128xf32, #tpu.memory_space<vmem>> -> memref<16x128xf32, #tpu.memory_space<vmem>>
    %dma_wait3A_58 = arith.constant 9984 : i32
    %dma_wait3A_59 = tpu.memref_slice %arg7[%dma_wait3A_58] : memref<10000xi32, #tpu.memory_space<vmem>> -> memref<16xi32, #tpu.memory_space<vmem>>
    %dma_wait3A_60 = arith.constant 0 : i32
    %dma_wait3A_61 = arith.constant 0 : i32
    %dma_wait3A_62 = tpu.memref_slice %arg4[%dma_wait3A_60, %dma_wait3A_61] : memref<10000x128xf32, #tpu.memory_space<hbm>> -> memref<10000x128xf32, #tpu.memory_space<hbm>>
    tpu.wait_indirect_dma semaphore(%arg19 : memref<!tpu.dma_semaphore, #tpu.memory_space<semaphore_mem>>) src(%dma_wait3A_62 : memref<10000x128xf32, #tpu.memory_space<hbm>>) dst(%dma_wait3A_57 : memref<16x128xf32, #tpu.memory_space<vmem>>)
    "tpu.region"() ({
      %run_scoped3A = tpu.sem_alloc : memref<!tpu.dma_semaphore, #tpu.memory_space<semaphore_mem>>
      %dma_start3A_64 = arith.constant 0 : i32
      %dma_start3A_65 = arith.constant 0 : i32
      %dma_start3A_66 = tpu.memref_slice %arg11[%dma_start3A_64, %dma_start3A_65] : memref<64x128xf32, #tpu.memory_space<vmem>> -> memref<16x128xf32, #tpu.memory_space<vmem>>
      %dma_start3A_67 = arith.constant 0 : i32
      %dma_start3A_68 = arith.constant 0 : i32
      %dma_start3A_69 = tpu.memref_slice %arg15[%dma_start3A_67, %dma_start3A_68] : memref<10112x128xf32, #tpu.memory_space<vmem_shared>> -> memref<10112x128xf32, #tpu.memory_space<vmem_shared>>
      tpu.enqueue_indirect_dma source(%dma_start3A_66 : memref<16x128xf32, #tpu.memory_space<vmem>>) target(%dma_start3A_69 : memref<10112x128xf32, #tpu.memory_space<vmem_shared>>) offsets(%arg14 : memref<16xi32, #tpu.memory_space<vmem>>) semaphore(%run_scoped3A : memref<!tpu.dma_semaphore, #tpu.memory_space<semaphore_mem>>) {add = true}
      %dma_wait3A_70 = arith.constant 0 : i32
      %dma_wait3A_71 = arith.constant 0 : i32
      %dma_wait3A_72 = tpu.memref_slice %arg11[%dma_wait3A_70, %dma_wait3A_71] : memref<64x128xf32, #tpu.memory_space<vmem>> -> memref<16x128xf32, #tpu.memory_space<vmem>>
      %dma_wait3A_73 = arith.constant 0 : i32
      %dma_wait3A_74 = arith.constant 0 : i32
      %dma_wait3A_75 = tpu.memref_slice %arg15[%dma_wait3A_73, %dma_wait3A_74] : memref<10112x128xf32, #tpu.memory_space<vmem_shared>> -> memref<10112x128xf32, #tpu.memory_space<vmem_shared>>
      tpu.wait_indirect_dma semaphore(%run_scoped3A : memref<!tpu.dma_semaphore, #tpu.memory_space<semaphore_mem>>) src(%dma_wait3A_72 : memref<16x128xf32, #tpu.memory_space<vmem>>) dst(%dma_wait3A_75 : memref<10112x128xf32, #tpu.memory_space<vmem_shared>>)
      tpu.yield
    }) : () -> ()
    %barrier3A_63 = arith.constant 0 : index
    tpu.barrier barrier_id(%barrier3A_63)
    "tpu.region"() ({
      %run_scoped3A = tpu.sem_alloc : memref<!tpu.dma_semaphore, #tpu.memory_space<semaphore_mem>>
      %dma_start3A_64 = arith.constant 0 : i32
      %dma_start3A_65 = tpu.memref_slice %arg6[%arg0, %mul3A_5, %dma_start3A_64] : memref<2x10112x128xf32, #tpu.memory_space<hbm>> -> memref<1x632x128xf32, #tpu.memory_space<hbm>>
      %dma_start3A_66 = tpu.memref_squeeze %dma_start3A_65 : memref<1x632x128xf32, #tpu.memory_space<hbm>> -> memref<632x128xf32, #tpu.memory_space<hbm>>
      %dma_start3A_67 = arith.constant 0 : i32
      %dma_start3A_68 = tpu.memref_slice %arg15[%mul3A_5, %dma_start3A_67] : memref<10112x128xf32, #tpu.memory_space<vmem_shared>> -> memref<632x128xf32, #tpu.memory_space<vmem_shared>>
      tpu.enqueue_dma source(%dma_start3A_68 : memref<632x128xf32, #tpu.memory_space<vmem_shared>>) target(%dma_start3A_66 : memref<632x128xf32, #tpu.memory_space<hbm>>) target_semaphore(%run_scoped3A : memref<!tpu.dma_semaphore, #tpu.memory_space<semaphore_mem>>)
      %dma_wait3A_69 = arith.constant 0 : i32
      %dma_wait3A_70 = tpu.memref_slice %arg6[%arg0, %mul3A_5, %dma_wait3A_69] : memref<2x10112x128xf32, #tpu.memory_space<hbm>> -> memref<1x632x128xf32, #tpu.memory_space<hbm>>
      %dma_wait3A_71 = tpu.memref_squeeze %dma_wait3A_70 : memref<1x632x128xf32, #tpu.memory_space<hbm>> -> memref<632x128xf32, #tpu.memory_space<hbm>>
      %dma_wait3A_72 = arith.constant 0 : i32
      %dma_wait3A_73 = tpu.memref_slice %arg15[%mul3A_5, %dma_wait3A_72] : memref<10112x128xf32, #tpu.memory_space<vmem_shared>> -> memref<632x128xf32, #tpu.memory_space<vmem_shared>>
      tpu.wait_dma2 semaphore(%run_scoped3A : memref<!tpu.dma_semaphore, #tpu.memory_space<semaphore_mem>>) src(%dma_wait3A_73 : memref<632x128xf32, #tpu.memory_space<vmem_shared>>) dst(%dma_wait3A_71 : memref<632x128xf32, #tpu.memory_space<hbm>>)
      tpu.yield
    }) : () -> ()
    return
  }
}

#map = affine_map<(d0, d1) -> (0)>
#map1 = affine_map<(d0, d1) -> (0, 0)>
#map2 = affine_map<(d0, d1) -> (0, 0, 0)>
module attributes {stable_mosaic.version = 14 : i64} {
  func.func @sc_kernel(%arg0: i32, %arg1: i32, %arg2: memref<320000xi32, #tpu.memory_space<hbm>>, %arg3: memref<632x128xf32, #tpu.memory_space<hbm>>, %arg4: memref<128x128xf32, #tpu.memory_space<hbm>>, %arg5: memref<2x10112x128xf32, #tpu.memory_space<hbm>>, %arg6: memref<128xi32, #tpu.memory_space<vmem>>, %arg7: memref<128xi32, #tpu.memory_space<vmem>>, %arg8: memref<128x128xf32, #tpu.memory_space<vmem>>, %arg9: memref<16xi32, #tpu.memory_space<vmem>>, %arg10: memref<10112x128xf32, #tpu.memory_space<vmem_shared>>, %arg11: memref<!tpu.dma_semaphore, #tpu.memory_space<semaphore_mem>>, %arg12: memref<!tpu.dma_semaphore, #tpu.memory_space<semaphore_mem>>) attributes {dimension_semantics = [#tpu.dimension_semantics<core_parallel>, #tpu.dimension_semantics<subcore_parallel>], iteration_bounds = array<i64: 2, 16>, scalar_prefetch = 0 : i64, scratch_operands = 7 : i64, tpu.core_type = #tpu.core_type<sc_vector_subcore>, window_params = [{transform_indices = #map}, {transform_indices = #map1}, {transform_indices = #map1}, {transform_indices = #map2}]} {
    %mul3A = arith.constant 2 : i32
    %mul3A_0 = arith.muli %arg1, %mul3A : i32
    %add3A = arith.addi %mul3A_0, %arg0 : i32
    %mul3A_1 = arith.constant 10000 : i32
    %mul3A_2 = arith.muli %add3A, %mul3A_1 : i32
    %mul3A_3 = arith.constant 632 : i32
    %mul3A_4 = arith.muli %arg1, %mul3A_3 : i32
    "tpu.region"() ({
      %run_scoped3A = tpu.sem_alloc : memref<!tpu.dma_semaphore, #tpu.memory_space<semaphore_mem>>
      %dma_start3A_20 = arith.constant 0 : i32
      %dma_start3A_21 = tpu.memref_slice %arg10[%mul3A_4, %dma_start3A_20] : memref<10112x128xf32, #tpu.memory_space<vmem_shared>> -> memref<632x128xf32, #tpu.memory_space<vmem_shared>>
      tpu.enqueue_dma source(%arg3 : memref<632x128xf32, #tpu.memory_space<hbm>>) target(%dma_start3A_21 : memref<632x128xf32, #tpu.memory_space<vmem_shared>>) target_semaphore(%run_scoped3A : memref<!tpu.dma_semaphore, #tpu.memory_space<semaphore_mem>>)
      %dma_wait3A = arith.constant 0 : i32
      %dma_wait3A_22 = tpu.memref_slice %arg10[%mul3A_4, %dma_wait3A] : memref<10112x128xf32, #tpu.memory_space<vmem_shared>> -> memref<632x128xf32, #tpu.memory_space<vmem_shared>>
      tpu.wait_dma2 semaphore(%run_scoped3A : memref<!tpu.dma_semaphore, #tpu.memory_space<semaphore_mem>>) src(%arg3 : memref<632x128xf32, #tpu.memory_space<hbm>>) dst(%dma_wait3A_22 : memref<632x128xf32, #tpu.memory_space<vmem_shared>>)
      tpu.yield
    }) : () -> ()
    "tpu.region"() ({
      %run_scoped3A = tpu.sem_alloc : memref<!tpu.dma_semaphore, #tpu.memory_space<semaphore_mem>>
      tpu.enqueue_dma source(%arg4 : memref<128x128xf32, #tpu.memory_space<hbm>>) target(%arg8 : memref<128x128xf32, #tpu.memory_space<vmem>>) target_semaphore(%run_scoped3A : memref<!tpu.dma_semaphore, #tpu.memory_space<semaphore_mem>>)
      tpu.wait_dma2 semaphore(%run_scoped3A : memref<!tpu.dma_semaphore, #tpu.memory_space<semaphore_mem>>) src(%arg4 : memref<128x128xf32, #tpu.memory_space<hbm>>) dst(%arg8 : memref<128x128xf32, #tpu.memory_space<vmem>>)
      tpu.yield
    }) : () -> ()
    %barrier3A = arith.constant 0 : index
    tpu.barrier barrier_id(%barrier3A)
    %add3A_5 = arith.constant 0 : i32
    %add3A_6 = arith.addi %mul3A_2, %add3A_5 : i32
    %dma_start3A = tpu.memref_slice %arg2[%add3A_6] : memref<320000xi32, #tpu.memory_space<hbm>> -> memref<128xi32, #tpu.memory_space<hbm>>
    %dma_start3A_7 = tpu.memref_slice %arg2[%add3A_6] : memref<320000xi32, #tpu.memory_space<hbm>> -> memref<128xi32, #tpu.memory_space<hbm>>
    tpu.enqueue_dma source(%dma_start3A_7 : memref<128xi32, #tpu.memory_space<hbm>>) target(%arg6 : memref<128xi32, #tpu.memory_space<vmem>>) target_semaphore(%arg11 : memref<!tpu.dma_semaphore, #tpu.memory_space<semaphore_mem>>)
    %add3A_8 = arith.constant 128 : i32
    %add3A_9 = arith.addi %mul3A_2, %add3A_8 : i32
    %dma_start3A_10 = tpu.memref_slice %arg2[%add3A_9] : memref<320000xi32, #tpu.memory_space<hbm>> -> memref<128xi32, #tpu.memory_space<hbm>>
    %dma_start3A_11 = tpu.memref_slice %arg2[%add3A_9] : memref<320000xi32, #tpu.memory_space<hbm>> -> memref<128xi32, #tpu.memory_space<hbm>>
    tpu.enqueue_dma source(%dma_start3A_11 : memref<128xi32, #tpu.memory_space<hbm>>) target(%arg7 : memref<128xi32, #tpu.memory_space<vmem>>) target_semaphore(%arg12 : memref<!tpu.dma_semaphore, #tpu.memory_space<semaphore_mem>>)
    %scan3A = arith.constant 0 : i32
    %scan3A_12 = arith.constant 0 : i32
    %scan3A_13 = arith.constant 39 : i32
    %scan3A_14 = arith.addi %scan3A_12, %scan3A_13 : i32
    %scan3A_15 = arith.constant 1 : i32
    scf.for %scan3A_20 = %scan3A_12 to %scan3A_14 step %scan3A_15  : i32 {
      %mul3A_21 = arith.constant 2 : i32
      %mul3A_22 = arith.muli %scan3A_20, %mul3A_21 : i32
      %add3A_23 = arith.constant 0 : i32
      %add3A_24 = arith.addi %mul3A_22, %add3A_23 : i32
      %mul3A_25 = arith.constant 128 : i32
      %mul3A_26 = arith.muli %add3A_24, %mul3A_25 : i32
      %add3A_27 = arith.addi %mul3A_2, %mul3A_26 : i32
      %dma_wait3A = tpu.memref_slice %arg2[%add3A_27] : memref<320000xi32, #tpu.memory_space<hbm>> -> memref<128xi32, #tpu.memory_space<hbm>>
      %dma_wait3A_28 = tpu.memref_slice %arg2[%add3A_27] : memref<320000xi32, #tpu.memory_space<hbm>> -> memref<128xi32, #tpu.memory_space<hbm>>
      tpu.wait_dma2 semaphore(%arg11 : memref<!tpu.dma_semaphore, #tpu.memory_space<semaphore_mem>>) src(%dma_wait3A_28 : memref<128xi32, #tpu.memory_space<hbm>>) dst(%arg6 : memref<128xi32, #tpu.memory_space<vmem>>)
      "tpu.region"() ({
        %run_scoped3A = tpu.sem_alloc : memref<!tpu.dma_semaphore, #tpu.memory_space<semaphore_mem>>
        %dma_start3A_53 = arith.constant 0 : i32
        %dma_start3A_54 = arith.constant 0 : i32
        %dma_start3A_55 = tpu.memref_slice %arg10[%dma_start3A_53, %dma_start3A_54] : memref<10112x128xf32, #tpu.memory_space<vmem_shared>> -> memref<10112x128xf32, #tpu.memory_space<vmem_shared>>
        tpu.enqueue_indirect_dma source(%arg8 : memref<128x128xf32, #tpu.memory_space<vmem>>) target(%dma_start3A_55 : memref<10112x128xf32, #tpu.memory_space<vmem_shared>>) offsets(%arg6 : memref<128xi32, #tpu.memory_space<vmem>>) semaphore(%run_scoped3A : memref<!tpu.dma_semaphore, #tpu.memory_space<semaphore_mem>>) {add = true}
        %dma_wait3A_56 = arith.constant 0 : i32
        %dma_wait3A_57 = arith.constant 0 : i32
        %dma_wait3A_58 = tpu.memref_slice %arg10[%dma_wait3A_56, %dma_wait3A_57] : memref<10112x128xf32, #tpu.memory_space<vmem_shared>> -> memref<10112x128xf32, #tpu.memory_space<vmem_shared>>
        tpu.wait_indirect_dma semaphore(%run_scoped3A : memref<!tpu.dma_semaphore, #tpu.memory_space<semaphore_mem>>) src(%arg8 : memref<128x128xf32, #tpu.memory_space<vmem>>) dst(%dma_wait3A_58 : memref<10112x128xf32, #tpu.memory_space<vmem_shared>>)
        tpu.yield
      }) : () -> ()
      %add3A_29 = arith.constant 2 : i32
      %add3A_30 = arith.addi %add3A_24, %add3A_29 : i32
      %mul3A_31 = arith.constant 128 : i32
      %mul3A_32 = arith.muli %add3A_30, %mul3A_31 : i32
      %lt3A = arith.constant 9984 : i32
      %lt3A_33 = arith.cmpi slt, %mul3A_32, %lt3A : i32
      %convert_element_type3A = arith.extui %lt3A_33 : i1 to i32
      %cond3A = arith.constant 0 : i32
      %cond3A_34 = arith.cmpi ne, %convert_element_type3A, %cond3A : i32
      scf.if %cond3A_34 {
        %mul3A_53 = arith.constant 128 : i32
        %mul3A_54 = arith.muli %add3A_30, %mul3A_53 : i32
        %add3A_55 = arith.addi %mul3A_2, %mul3A_54 : i32
        %dma_start3A_56 = tpu.memref_slice %arg2[%add3A_55] : memref<320000xi32, #tpu.memory_space<hbm>> -> memref<128xi32, #tpu.memory_space<hbm>>
        %dma_start3A_57 = tpu.memref_slice %arg2[%add3A_55] : memref<320000xi32, #tpu.memory_space<hbm>> -> memref<128xi32, #tpu.memory_space<hbm>>
        tpu.enqueue_dma source(%dma_start3A_57 : memref<128xi32, #tpu.memory_space<hbm>>) target(%arg6 : memref<128xi32, #tpu.memory_space<vmem>>) target_semaphore(%arg11 : memref<!tpu.dma_semaphore, #tpu.memory_space<semaphore_mem>>)
      } else {
      }
      %mul3A_35 = arith.constant 2 : i32
      %mul3A_36 = arith.muli %scan3A_20, %mul3A_35 : i32
      %add3A_37 = arith.constant 1 : i32
      %add3A_38 = arith.addi %mul3A_36, %add3A_37 : i32
      %mul3A_39 = arith.constant 128 : i32
      %mul3A_40 = arith.muli %add3A_38, %mul3A_39 : i32
      %add3A_41 = arith.addi %mul3A_2, %mul3A_40 : i32
      %dma_wait3A_42 = tpu.memref_slice %arg2[%add3A_41] : memref<320000xi32, #tpu.memory_space<hbm>> -> memref<128xi32, #tpu.memory_space<hbm>>
      %dma_wait3A_43 = tpu.memref_slice %arg2[%add3A_41] : memref<320000xi32, #tpu.memory_space<hbm>> -> memref<128xi32, #tpu.memory_space<hbm>>
      tpu.wait_dma2 semaphore(%arg12 : memref<!tpu.dma_semaphore, #tpu.memory_space<semaphore_mem>>) src(%dma_wait3A_43 : memref<128xi32, #tpu.memory_space<hbm>>) dst(%arg7 : memref<128xi32, #tpu.memory_space<vmem>>)
      "tpu.region"() ({
        %run_scoped3A = tpu.sem_alloc : memref<!tpu.dma_semaphore, #tpu.memory_space<semaphore_mem>>
        %dma_start3A_53 = arith.constant 0 : i32
        %dma_start3A_54 = arith.constant 0 : i32
        %dma_start3A_55 = tpu.memref_slice %arg10[%dma_start3A_53, %dma_start3A_54] : memref<10112x128xf32, #tpu.memory_space<vmem_shared>> -> memref<10112x128xf32, #tpu.memory_space<vmem_shared>>
        tpu.enqueue_indirect_dma source(%arg8 : memref<128x128xf32, #tpu.memory_space<vmem>>) target(%dma_start3A_55 : memref<10112x128xf32, #tpu.memory_space<vmem_shared>>) offsets(%arg7 : memref<128xi32, #tpu.memory_space<vmem>>) semaphore(%run_scoped3A : memref<!tpu.dma_semaphore, #tpu.memory_space<semaphore_mem>>) {add = true}
        %dma_wait3A_56 = arith.constant 0 : i32
        %dma_wait3A_57 = arith.constant 0 : i32
        %dma_wait3A_58 = tpu.memref_slice %arg10[%dma_wait3A_56, %dma_wait3A_57] : memref<10112x128xf32, #tpu.memory_space<vmem_shared>> -> memref<10112x128xf32, #tpu.memory_space<vmem_shared>>
        tpu.wait_indirect_dma semaphore(%run_scoped3A : memref<!tpu.dma_semaphore, #tpu.memory_space<semaphore_mem>>) src(%arg8 : memref<128x128xf32, #tpu.memory_space<vmem>>) dst(%dma_wait3A_58 : memref<10112x128xf32, #tpu.memory_space<vmem_shared>>)
        tpu.yield
      }) : () -> ()
      %add3A_44 = arith.constant 2 : i32
      %add3A_45 = arith.addi %add3A_38, %add3A_44 : i32
      %mul3A_46 = arith.constant 128 : i32
      %mul3A_47 = arith.muli %add3A_45, %mul3A_46 : i32
      %lt3A_48 = arith.constant 9984 : i32
      %lt3A_49 = arith.cmpi slt, %mul3A_47, %lt3A_48 : i32
      %convert_element_type3A_50 = arith.extui %lt3A_49 : i1 to i32
      %cond3A_51 = arith.constant 0 : i32
      %cond3A_52 = arith.cmpi ne, %convert_element_type3A_50, %cond3A_51 : i32
      scf.if %cond3A_52 {
        %mul3A_53 = arith.constant 128 : i32
        %mul3A_54 = arith.muli %add3A_45, %mul3A_53 : i32
        %add3A_55 = arith.addi %mul3A_2, %mul3A_54 : i32
        %dma_start3A_56 = tpu.memref_slice %arg2[%add3A_55] : memref<320000xi32, #tpu.memory_space<hbm>> -> memref<128xi32, #tpu.memory_space<hbm>>
        %dma_start3A_57 = tpu.memref_slice %arg2[%add3A_55] : memref<320000xi32, #tpu.memory_space<hbm>> -> memref<128xi32, #tpu.memory_space<hbm>>
        tpu.enqueue_dma source(%dma_start3A_57 : memref<128xi32, #tpu.memory_space<hbm>>) target(%arg7 : memref<128xi32, #tpu.memory_space<vmem>>) target_semaphore(%arg12 : memref<!tpu.dma_semaphore, #tpu.memory_space<semaphore_mem>>)
      } else {
      }
    }
    %scan3A_16 = arith.constant 39 : i32
    %add3A_17 = arith.constant 9984 : i32
    %add3A_18 = arith.addi %mul3A_2, %add3A_17 : i32
    "tpu.region"() ({
      %run_scoped3A = tpu.sem_alloc : memref<!tpu.dma_semaphore, #tpu.memory_space<semaphore_mem>>
      %dma_start3A_20 = tpu.memref_slice %arg2[%add3A_18] : memref<320000xi32, #tpu.memory_space<hbm>> -> memref<16xi32, #tpu.memory_space<hbm>>
      %dma_start3A_21 = tpu.memref_slice %arg2[%add3A_18] : memref<320000xi32, #tpu.memory_space<hbm>> -> memref<16xi32, #tpu.memory_space<hbm>>
      tpu.enqueue_dma source(%dma_start3A_21 : memref<16xi32, #tpu.memory_space<hbm>>) target(%arg9 : memref<16xi32, #tpu.memory_space<vmem>>) target_semaphore(%run_scoped3A : memref<!tpu.dma_semaphore, #tpu.memory_space<semaphore_mem>>)
      %dma_wait3A = tpu.memref_slice %arg2[%add3A_18] : memref<320000xi32, #tpu.memory_space<hbm>> -> memref<16xi32, #tpu.memory_space<hbm>>
      %dma_wait3A_22 = tpu.memref_slice %arg2[%add3A_18] : memref<320000xi32, #tpu.memory_space<hbm>> -> memref<16xi32, #tpu.memory_space<hbm>>
      tpu.wait_dma2 semaphore(%run_scoped3A : memref<!tpu.dma_semaphore, #tpu.memory_space<semaphore_mem>>) src(%dma_wait3A_22 : memref<16xi32, #tpu.memory_space<hbm>>) dst(%arg9 : memref<16xi32, #tpu.memory_space<vmem>>)
      tpu.yield
    }) : () -> ()
    "tpu.region"() ({
      %run_scoped3A = tpu.sem_alloc : memref<!tpu.dma_semaphore, #tpu.memory_space<semaphore_mem>>
      %dma_start3A_20 = arith.constant 0 : i32
      %dma_start3A_21 = arith.constant 0 : i32
      %dma_start3A_22 = tpu.memref_slice %arg8[%dma_start3A_20, %dma_start3A_21] : memref<128x128xf32, #tpu.memory_space<vmem>> -> memref<16x128xf32, #tpu.memory_space<vmem>>
      %dma_start3A_23 = arith.constant 0 : i32
      %dma_start3A_24 = arith.constant 0 : i32
      %dma_start3A_25 = tpu.memref_slice %arg10[%dma_start3A_23, %dma_start3A_24] : memref<10112x128xf32, #tpu.memory_space<vmem_shared>> -> memref<10112x128xf32, #tpu.memory_space<vmem_shared>>
      tpu.enqueue_indirect_dma source(%dma_start3A_22 : memref<16x128xf32, #tpu.memory_space<vmem>>) target(%dma_start3A_25 : memref<10112x128xf32, #tpu.memory_space<vmem_shared>>) offsets(%arg9 : memref<16xi32, #tpu.memory_space<vmem>>) semaphore(%run_scoped3A : memref<!tpu.dma_semaphore, #tpu.memory_space<semaphore_mem>>) {add = true}
      %dma_wait3A = arith.constant 0 : i32
      %dma_wait3A_26 = arith.constant 0 : i32
      %dma_wait3A_27 = tpu.memref_slice %arg8[%dma_wait3A, %dma_wait3A_26] : memref<128x128xf32, #tpu.memory_space<vmem>> -> memref<16x128xf32, #tpu.memory_space<vmem>>
      %dma_wait3A_28 = arith.constant 0 : i32
      %dma_wait3A_29 = arith.constant 0 : i32
      %dma_wait3A_30 = tpu.memref_slice %arg10[%dma_wait3A_28, %dma_wait3A_29] : memref<10112x128xf32, #tpu.memory_space<vmem_shared>> -> memref<10112x128xf32, #tpu.memory_space<vmem_shared>>
      tpu.wait_indirect_dma semaphore(%run_scoped3A : memref<!tpu.dma_semaphore, #tpu.memory_space<semaphore_mem>>) src(%dma_wait3A_27 : memref<16x128xf32, #tpu.memory_space<vmem>>) dst(%dma_wait3A_30 : memref<10112x128xf32, #tpu.memory_space<vmem_shared>>)
      tpu.yield
    }) : () -> ()
    %barrier3A_19 = arith.constant 0 : index
    tpu.barrier barrier_id(%barrier3A_19)
    "tpu.region"() ({
      %run_scoped3A = tpu.sem_alloc : memref<!tpu.dma_semaphore, #tpu.memory_space<semaphore_mem>>
      %dma_start3A_20 = arith.constant 0 : i32
      %dma_start3A_21 = tpu.memref_slice %arg5[%arg0, %mul3A_4, %dma_start3A_20] : memref<2x10112x128xf32, #tpu.memory_space<hbm>> -> memref<1x632x128xf32, #tpu.memory_space<hbm>>
      %dma_start3A_22 = tpu.memref_squeeze %dma_start3A_21 : memref<1x632x128xf32, #tpu.memory_space<hbm>> -> memref<632x128xf32, #tpu.memory_space<hbm>>
      %dma_start3A_23 = arith.constant 0 : i32
      %dma_start3A_24 = tpu.memref_slice %arg10[%mul3A_4, %dma_start3A_23] : memref<10112x128xf32, #tpu.memory_space<vmem_shared>> -> memref<632x128xf32, #tpu.memory_space<vmem_shared>>
      tpu.enqueue_dma source(%dma_start3A_24 : memref<632x128xf32, #tpu.memory_space<vmem_shared>>) target(%dma_start3A_22 : memref<632x128xf32, #tpu.memory_space<hbm>>) target_semaphore(%run_scoped3A : memref<!tpu.dma_semaphore, #tpu.memory_space<semaphore_mem>>)
      %dma_wait3A = arith.constant 0 : i32
      %dma_wait3A_25 = tpu.memref_slice %arg5[%arg0, %mul3A_4, %dma_wait3A] : memref<2x10112x128xf32, #tpu.memory_space<hbm>> -> memref<1x632x128xf32, #tpu.memory_space<hbm>>
      %dma_wait3A_26 = tpu.memref_squeeze %dma_wait3A_25 : memref<1x632x128xf32, #tpu.memory_space<hbm>> -> memref<632x128xf32, #tpu.memory_space<hbm>>
      %dma_wait3A_27 = arith.constant 0 : i32
      %dma_wait3A_28 = tpu.memref_slice %arg10[%mul3A_4, %dma_wait3A_27] : memref<10112x128xf32, #tpu.memory_space<vmem_shared>> -> memref<632x128xf32, #tpu.memory_space<vmem_shared>>
      tpu.wait_dma2 semaphore(%run_scoped3A : memref<!tpu.dma_semaphore, #tpu.memory_space<semaphore_mem>>) src(%dma_wait3A_28 : memref<632x128xf32, #tpu.memory_space<vmem_shared>>) dst(%dma_wait3A_26 : memref<632x128xf32, #tpu.memory_space<hbm>>)
      tpu.yield
    }) : () -> ()
    return
  }
}

module attributes {stable_mosaic.version = 14 : i64} {
  func.func @body(%arg0: i32, %arg1: memref<2000x128xf32, #tpu.memory_space<vmem>>, %arg2: memref<128x128xf32, #tpu.memory_space<vmem>>, %arg3: memref<128x128xf32, #tpu.memory_space<vmem>>, %arg4: memref<1x128xf32, #tpu.memory_space<vmem>>, %arg5: memref<1x2000x128xf32, #tpu.memory_space<vmem>>, %arg6: memref<1x2000x128xf32, #tpu.memory_space<vmem>>, %arg7: memref<1x2000x128xf32, #tpu.memory_space<vmem>>, %arg8: memref<1x2000x128xf32, #tpu.memory_space<vmem>>, %arg9: memref<2000x128xf32, #tpu.memory_space<vmem>>) attributes {dimension_semantics = [#tpu.dimension_semantics<arbitrary>], iteration_bounds = array<i64: 5>, scalar_prefetch = 0 : i64, scratch_operands = 0 : i64, tpu.core_type = #tpu.core_type<tc>, window_params = [{transform_indices = @transform_0, window_bounds = array<i64: 2000, 128>}, {pipeline_mode = #tpu.pipeline_mode<synchronous>, transform_indices = @transform_1, window_bounds = array<i64: 128, 128>}, {pipeline_mode = #tpu.pipeline_mode<synchronous>, transform_indices = @transform_2, window_bounds = array<i64: 128, 128>}, {pipeline_mode = #tpu.pipeline_mode<synchronous>, transform_indices = @transform_3, window_bounds = array<i64: 1, 128>}, {transform_indices = @transform_4, window_bounds = array<i64: 1, 2000, 128>}, {transform_indices = @transform_5, window_bounds = array<i64: 1, 2000, 128>}, {transform_indices = @transform_6, window_bounds = array<i64: 1, 2000, 128>}, {transform_indices = @transform_7, window_bounds = array<i64: 1, 2000, 128>}, {transform_indices = @transform_8, window_bounds = array<i64: 2000, 128>}]} {
    %get3A = arith.constant 0 : index
    %get3A_0 = arith.constant 0 : index
    %get3A_1 = vector.load %arg1[%get3A, %get3A_0] : memref<2000x128xf32, #tpu.memory_space<vmem>>, vector<2000x128xf32>
    %get3A_2 = arith.constant 0 : index
    %get3A_3 = arith.constant 0 : index
    %get3A_4 = arith.constant 0 : index
    %get3A_5 = vector.load %arg5[%get3A_2, %get3A_3, %get3A_4] : memref<1x2000x128xf32, #tpu.memory_space<vmem>>, vector<1x2000x128xf32>
    %get3A_6 = vector.shape_cast %get3A_5 : vector<1x2000x128xf32> to vector<2000x128xf32>
    %get3A_7 = arith.constant 0 : index
    %get3A_8 = arith.constant 0 : index
    %get3A_9 = arith.constant 0 : index
    %get3A_10 = vector.load %arg6[%get3A_7, %get3A_8, %get3A_9] : memref<1x2000x128xf32, #tpu.memory_space<vmem>>, vector<1x2000x128xf32>
    %get3A_11 = vector.shape_cast %get3A_10 : vector<1x2000x128xf32> to vector<2000x128xf32>
    %add3A = arith.addf %get3A_6, %get3A_11 : vector<2000x128xf32>
    %get3A_12 = arith.constant 0 : index
    %get3A_13 = arith.constant 0 : index
    %get3A_14 = arith.constant 0 : index
    %get3A_15 = vector.load %arg7[%get3A_12, %get3A_13, %get3A_14] : memref<1x2000x128xf32, #tpu.memory_space<vmem>>, vector<1x2000x1xf32>
    %get3A_16 = vector.shape_cast %get3A_15 : vector<1x2000x1xf32> to vector<2000x1xf32>
    %get3A_17 = arith.constant 0 : index
    %get3A_18 = arith.constant 0 : index
    %get3A_19 = arith.constant 0 : index
    %get3A_20 = vector.load %arg8[%get3A_17, %get3A_18, %get3A_19] : memref<1x2000x128xf32, #tpu.memory_space<vmem>>, vector<1x2000x1xf32>
    %get3A_21 = vector.shape_cast %get3A_20 : vector<1x2000x1xf32> to vector<2000x1xf32>
    %add3A_22 = arith.addf %get3A_16, %get3A_21 : vector<2000x1xf32>
    %gt3A = arith.constant 0.000000e+00 : f32
    %gt3A_23 = vector.broadcast %gt3A : f32 to vector<2000x1xf32>
    %gt3A_24 = arith.cmpf ogt, %add3A_22, %gt3A_23 : vector<2000x1xf32>
    %div3A = arith.constant 1.000000e+00 : f32
    %div3A_25 = vector.broadcast %div3A : f32 to vector<2000x1xf32>
    %div3A_26 = arith.divf %div3A_25, %add3A_22 : vector<2000x1xf32>
    %jit3A = arith.constant 0.000000e+00 : f32
    %broadcast_in_dim3A = vector.broadcast %jit3A : f32 to vector<2000x1xf32>
    %select_n3A = arith.select %gt3A_24, %div3A_26, %broadcast_in_dim3A : vector<2000x1xi1>, vector<2000x1xf32>
    %get3A_27 = arith.constant 0 : index
    %get3A_28 = arith.constant 0 : index
    %get3A_29 = vector.load %arg2[%get3A_27, %get3A_28] : memref<128x128xf32, #tpu.memory_space<vmem>>, vector<128x128xf32>
    %dot_general3A = arith.constant dense<0.000000e+00> : vector<2000x128xf32>
    %dot_general3A_30 = tpu.matmul %get3A_1, %get3A_29, %dot_general3A {dimension_numbers = #tpu.dot_dimension_numbers<[1], [0], [0], [1], [0, 0, 1, 1], [], []>, transpose_lhs_hint = false} : vector<2000x128xf32>, vector<128x128xf32>, vector<2000x128xf32> -> vector<2000x128xf32>
    %mul3A = vector.broadcast %select_n3A : vector<2000x1xf32> to vector<2000x128xf32>
    %mul3A_31 = arith.mulf %add3A, %mul3A : vector<2000x128xf32>
    %get3A_32 = arith.constant 0 : index
    %get3A_33 = arith.constant 0 : index
    %get3A_34 = vector.load %arg3[%get3A_32, %get3A_33] : memref<128x128xf32, #tpu.memory_space<vmem>>, vector<128x128xf32>
    %dot_general3A_35 = arith.constant dense<0.000000e+00> : vector<2000x128xf32>
    %dot_general3A_36 = tpu.matmul %mul3A_31, %get3A_34, %dot_general3A_35 {dimension_numbers = #tpu.dot_dimension_numbers<[1], [0], [0], [1], [0, 0, 1, 1], [], []>, transpose_lhs_hint = false} : vector<2000x128xf32>, vector<128x128xf32>, vector<2000x128xf32> -> vector<2000x128xf32>
    %add3A_37 = arith.addf %dot_general3A_30, %dot_general3A_36 : vector<2000x128xf32>
    %get3A_38 = arith.constant 0 : index
    %get3A_39 = arith.constant 0 : index
    %get3A_40 = vector.load %arg4[%get3A_38, %get3A_39] : memref<1x128xf32, #tpu.memory_space<vmem>>, vector<1x128xf32>
    %add3A_41 = vector.broadcast %get3A_40 : vector<1x128xf32> to vector<2000x128xf32>
    %add3A_42 = arith.addf %add3A_37, %add3A_41 : vector<2000x128xf32>
    %swap3A = arith.constant 0 : index
    %swap3A_43 = arith.constant 0 : index
    %swap3A_44 = vector.load %arg9[%swap3A, %swap3A_43] : memref<2000x128xf32, #tpu.memory_space<vmem>>, vector<2000x128xf32>
    tpu.vector_store %arg9[%swap3A, %swap3A_43], %add3A_42 {strides = array<i32>} : memref<2000x128xf32, #tpu.memory_space<vmem>>, vector<2000x128xf32>,
    return
  }
  func.func @transform_0(%arg0: i32) -> (i32, i32) {
    %c0_i32 = arith.constant 0 : i32
    %c0_i32_0 = arith.constant 0 : i32
    return %arg0, %c0_i32 : i32, i32
  }
  func.func @transform_1(%arg0: i32) -> (i32, i32) {
    %c0_i32 = arith.constant 0 : i32
    %c0_i32_0 = arith.constant 0 : i32
    %c0_i32_1 = arith.constant 0 : i32
    return %c0_i32, %c0_i32_0 : i32, i32
  }
  func.func @transform_2(%arg0: i32) -> (i32, i32) {
    %c0_i32 = arith.constant 0 : i32
    %c0_i32_0 = arith.constant 0 : i32
    %c0_i32_1 = arith.constant 0 : i32
    return %c0_i32, %c0_i32_0 : i32, i32
  }
  func.func @transform_3(%arg0: i32) -> (i32, i32) {
    %c0_i32 = arith.constant 0 : i32
    %c0_i32_0 = arith.constant 0 : i32
    %c0_i32_1 = arith.constant 0 : i32
    return %c0_i32, %c0_i32_0 : i32, i32
  }
  func.func @transform_4(%arg0: i32) -> (i32, i32, i32) {
    %c0_i32 = arith.constant 0 : i32
    %c0_i32_0 = arith.constant 0 : i32
    %c0_i32_1 = arith.constant 0 : i32
    return %c0_i32, %arg0, %c0_i32_0 : i32, i32, i32
  }
  func.func @transform_5(%arg0: i32) -> (i32, i32, i32) {
    %c1_i32 = arith.constant 1 : i32
    %c0_i32 = arith.constant 0 : i32
    %c0_i32_0 = arith.constant 0 : i32
    return %c1_i32, %arg0, %c0_i32 : i32, i32, i32
  }
  func.func @transform_6(%arg0: i32) -> (i32, i32, i32) {
    %c0_i32 = arith.constant 0 : i32
    %c0_i32_0 = arith.constant 0 : i32
    %c0_i32_1 = arith.constant 0 : i32
    return %c0_i32, %arg0, %c0_i32_0 : i32, i32, i32
  }
  func.func @transform_7(%arg0: i32) -> (i32, i32, i32) {
    %c1_i32 = arith.constant 1 : i32
    %c0_i32 = arith.constant 0 : i32
    %c0_i32_0 = arith.constant 0 : i32
    return %c1_i32, %arg0, %c0_i32 : i32, i32, i32
  }
  func.func @transform_8(%arg0: i32) -> (i32, i32) {
    %c0_i32 = arith.constant 0 : i32
    %c0_i32_0 = arith.constant 0 : i32
    return %arg0, %c0_i32 : i32, i32
  }
}

</mosaic_0001>

<sc_bundles>
// kernel: kernel.5.cloned.1.call-start
scs
__scs_entry_jumppad:
0x0: {  	(pc) =	sbr.rel $0x88, $3  }
0x1: {  	(tag) =	ssettag $0x0;
	lr =	simm.s32 $0x1  }
0x2: {  	[smem:$0x3F9C] =	sst lr;
	_ =	strace $0xD0000000  }
0x3: {  	_ = 	snop  }
0x4: {  	_ = 	snop  }
0x5: {  	_ = 	snop  }
0x6: {  	_ = 	snop  }
0x7: {  	_ = 	snop  }
__scs_overlays_trampoline_lowered:
0x8: {  	[smem:$0x3FAB] =	sst s0  }
0x9: {  	[smem:$0x3FAC] =	sst s1  }
0xa: {  	[smem:$0x3FAD] =	sst s2  }
0xb: {  	[smem:$0x3FAE] =	sst s3  }
0xc: {  	[smem:$0x3FAF] =	sst s4  }
0xd: {  	[smem:$0x3FB0] =	sst s5  }
0xe: {  	[smem:$0x3FB1] =	sst s6  }
0xf: {  	[smem:$0x3FB2] =	sst s7  }
0x10: {  	[smem:$0x3FB3] =	sst s8  }
0x11: {  	[smem:$0x3FB4] =	sst s9;
	s0 =	simm.s32 @!p0 $0x0  }
0x12: {  	s1 =	sld [smem:$0x3F9A];
	s0 =	simm.s32 @p0 $0x1  }
0x13: {  	[smem:$0x3FB5] =	sst s0;
	s0 =	simm.s32 @!p1 $0x0  }
0x14: {  	s2 =	sld [smem:$0x3F99];
	s0 =	simm.s32 @p1 $0x1  }
0x15: {  	[smem:$0x3FB6] =	sst s0;
	s0 =	simm.s32 @!p2 $0x0  }
0x16: {  	s3 =	sld [smem:$0x3FDB];
	s0 =	simm.s32 @p2 $0x1  }
0x17: {  	s4 =	simm.s32 $0x1BF5;
	[smem:$0x3FB8] =	sst s0  }
0x18: {  	s0 =	sld [smem:$0x3F9B];
	_ =	swait.ge [sflag:s4], $0x0  }
0x19: {  	s7 =	sld [smem:$0x3F9C]  }
0x1a: {  	s8 =	sadd.s32 $0xFFFFE003, lr  }
0x1b: {  	s9 =	sadd.s32 $0xFFFFFEF7, lr;
	s5 =	simm.s32 $0xFFFFFFFF;
	p2 =	slt.u32 s8, $0xFFFFF086  }
0x1c: {  	p1 =	slt.u32 s9, $0xF7A;
	s5 =	simm.s32 @!p2 $0x0  }
0x1d: {  	s5 =	simm.s32 @p1 $0x1;
	p0 =	seq.s32 s7, s2  }
0x1e: {  	s7 =	smul.u32 @!p0 $0xF7A, s2;
	p2 =	seq.s32 @!p0 s5, $0x0  }
0x1f: {  	s9 =	smul.u32 $0xF7A, s1;
	s8 =	simm.s32 @!p0 $0x1BF5;
	p2 =	por !p2, p0  }
0x20: {  	[sflag:s8] =	ssyncset.s32 @!p0 $0xFFFFF086;
	s6 =	sadd.s32 @!p0 s3, s7;
	s7 =	simm.s32 @!p0 $0x108  }
0x21: {  	s3 =	sadd.s32 s3, s9;
	s6 =	sadd.s32 @!p0 $0x88, s6;
	s7 =	simm.s32 @p2 $0x1082  }
0x22: {  	[simem:s7], [sflag:s8] =	dma.local @!p0 [hbm:s6], $0xF7A  }
0x23: {  	s9 =	sor.u32 $0xD0000000, s2;
	s6 =	simm.s32 $0x108;
	_ =	swait.ge @!p0 [sflag:s8], $0x0  }
0x24: {  	s3 =	sadd.s32 $0x88, s3;
	s6 =	simm.s32 @!p1 $0x1082;
	[sflag:s4] =	ssyncset.s32 $0xFFFFF086  }
0x25: {  	[simem:s6], [sflag:s4] =	dma.local [hbm:s3], $0xF7A  }
0x26: {  	[smem:$0x3F9C] =	sst s1;
	(tag) =	ssettag s2;
	_ =	strace s9  }
0x27: {  	s1 =	sld [smem:$0x3FAC]  }
0x28: {  	s2 =	sld [smem:$0x3FAD]  }
0x29: {  	s4 =	sld [smem:$0x3FAF]  }
0x2a: {  	p0 =	seq.s32 s5, $0x0;
	s5 =	sld [smem:$0x3FB0]  }
0x2b: {  	s6 =	sld [smem:$0x3FB1]  }
0x2c: {  	s7 =	sld [smem:$0x3FB2]  }
0x2d: {  	s3 =	simm.s32 $0x108;
	s8 =	sld [smem:$0x3FB3]  }
0x2e: {  	s3 =	simm.s32 @!p0 $0x1082;
	s9 =	sld [smem:$0x3FB4]  }
0x2f: {  	lr =	sadd.s32 s0, s3;
	s0 =	sld [smem:$0x3FAB]  }
0x30: {  	s3 =	sld [smem:$0x3FAE]  }
0x31: {  	[smem:$0x3FB7] =	sst s10  }
0x32: {  	s10 =	sld [smem:$0x3FB5];
	_ =	sdelay $0x3  }
0x33: {  	p0 =	seq.s32 s10, $0x1;
	s10 =	sld [smem:$0x3FB7];
	_ =	sdelay $0x3  }
0x34: {  	[smem:$0x3FB7] =	sst s10  }
0x35: {  	s10 =	sld [smem:$0x3FB6];
	_ =	sdelay $0x3  }
0x36: {  	p1 =	seq.s32 s10, $0x1;
	s10 =	sld [smem:$0x3FB7];
	_ =	sdelay $0x3  }
0x37: {  	[smem:$0x3FB7] =	sst s10  }
0x38: {  	s10 =	sld [smem:$0x3FB8]  }
0x39: {  	_ = 	snop;
	(pc) =	sbr.ind lr, $3  }
0x3a: {  	_ = 	snop  }
0x3b: {  	_ = 	snop  }
0x3c: {  	p2 =	seq.s32 s10, $0x1;
	s10 =	sld [smem:$0x3FB7]  }
0x3d: {  	_ =	shalt  }
0x3e: {  	_ =	shalt  }
0x3f: {  	_ =	shalt  }
0x40: {  	_ =	shalt  }
0x41: {  	_ =	shalt  }
0x42: {  	_ =	shalt  }
0x43: {  	_ =	shalt  }
0x44: {  	_ =	shalt  }
0x45: {  	_ =	shalt  }
0x46: {  	_ =	shalt  }
0x47: {  	_ =	shalt  }
0x48: {  	_ =	shalt  }
0x49: {  	_ =	shalt  }
0x4a: {  	_ =	shalt  }
0x4b: {  	_ =	shalt  }
0x4c: {  	_ =	shalt  }
0x4d: {  	_ =	shalt  }
0x4e: {  	_ =	shalt  }
0x4f: {  	_ =	shalt  }
0x50: {  	_ =	shalt  }
0x51: {  	_ =	shalt  }
0x52: {  	_ =	shalt  }
0x53: {  	_ =	shalt  }
0x54: {  	_ =	shalt  }
0x55: {  	_ =	shalt  }
0x56: {  	_ =	shalt  }
0x57: {  	_ =	shalt  }
0x58: {  	_ =	shalt  }
0x59: {  	_ =	shalt  }
0x5a: {  	_ =	shalt  }
0x5b: {  	_ =	shalt  }
0x5c: {  	_ =	shalt  }
0x5d: {  	_ =	shalt  }
0x5e: {  	_ =	shalt  }
0x5f: {  	_ =	shalt  }
0x60: {  	_ =	shalt  }
0x61: {  	_ =	shalt  }
0x62: {  	_ =	shalt  }
0x63: {  	_ =	shalt  }
0x64: {  	_ =	shalt  }
0x65: {  	_ =	shalt  }
0x66: {  	_ =	shalt  }
0x67: {  	_ =	shalt  }
0x68: {  	_ =	shalt  }
0x69: {  	_ =	shalt  }
0x6a: {  	_ =	shalt  }
0x6b: {  	_ =	shalt  }
0x6c: {  	_ =	shalt  }
0x6d: {  	_ =	shalt  }
0x6e: {  	_ =	shalt  }
0x6f: {  	_ =	shalt  }
0x70: {  	_ =	shalt  }
0x71: {  	_ =	shalt  }
0x72: {  	_ =	shalt  }
0x73: {  	_ =	shalt  }
0x74: {  	_ =	shalt  }
0x75: {  	_ =	shalt  }
0x76: {  	_ =	shalt  }
0x77: {  	_ =	shalt  }
0x78: {  	_ =	shalt  }
0x79: {  	_ =	shalt  }
0x7a: {  	_ =	shalt  }
0x7b: {  	_ =	shalt  }
0x7c: {  	_ =	shalt  }
0x7d: {  	_ =	shalt  }
0x7e: {  	_ =	shalt  }
0x7f: {  	_ =	shalt  }
0x80: {  	_ =	shalt  }
0x81: {  	_ =	shalt  }
0x82: {  	_ =	shalt  }
0x83: {  	_ =	shalt  }
0x84: {  	_ =	shalt  }
0x85: {  	_ =	shalt  }
0x86: {  	_ =	shalt  }
0x87: {  	_ =	shalt  }
.Lfunc_end0:
.L_simem_size_0:
called_computation_lowered:
.L_overlay_start_0:
0x88: {  	s2 =	sld [smem:$0x3FD9]  }
0x89: {  	s3 =	sld [smem:$0x3FFE];
	_ =	sdelay $0x1  }
0x8a: {  	s1 =	srdreg.scid  }
0x8b: {  	s0 =	sand.u32 $0x1, s1  }
0x8c: {  	s17 =	sshll.u32 s0, $0xA;
	s2 =	sadd.s32 s3, s2  }
0x8d: {  	s2 =	sadd.s32 s2, s17  }
0x8e: {  	[smem:$0x3FC3] =	sst s2  }
0x8f: {  	_ = 	snop  }
0x90: {  	s2 =	sld [smem:$0x3FC9]  }
0x91: {  	s18 =	sld [smem:$0x3FD0];
	(tm) =	ssettm $0x1  }
0x92: {  	s4 =	sld [smem:$0x3FFB];
	_ =	sdelay $0x3  }
0x93: {  	_ =	strace s4  }
0x94: {  	s4 =	sld [smem:$0x3FFC];
	_ =	sdelay $0x3  }
0x95: {  	_ =	strace s4  }
0x96: {  	s4 =	sld [smem:$0x3FFD];
	_ =	sdelay $0x3  }
0x97: {  	_ =	strace s4  }
0x98: {  	_ =	strace $0x8FFFFFFF  }
0x99: {  	s19 =	sld [smem:$0x3FDB];
	_ =	sdelay $0x1  }
0x9a: {  	s5 =	simm.s32 $_scs_section_size  }
0x9b: {  	s6 =	simm.s32 $_size__tile_overlayer_lowered;
	s7 =	simm.s32 $_tile_overlayer_lowered  }
0x9c: {  	s22 =	simm.s32 $0x1BFF;
	s21 =	sshll.u32 s7, $0x1;
	s4 =	sadd.s32 s5, s19  }
0x9d: {  	s8 =	simm.s32 $0x0;
	s20 =	sshll.u32 s6, $0x1;
	s6 =	sadd.s32 s21, s4  }
0x9e: {  	[timem:s8], [sflag:s22] =	dma.local [hbm:s6], s20  }
0x9f: {  	_ =	swait.ge [sflag:s22], s20  }
0xa0: {  	s5 =	ssub.s32 $0x0, s20;
	[sflag:s22] =	ssyncset.done $0x0  }
0xa1: {  	[sflag:s22] =	ssyncadd.s32 s5;
	_ =	sdelay $0x1  }
0xa2: {  	s23 =	simm.s32 $0x1B8B  }
0xa3: {  	_ =	swait.ge [sflag:s23], $0x1  }
0xa4: {  	[sflag:s23] =	ssyncset.done $0x0  }
0xa5: {  	s25 =	simm.s32 $0x1B8E;
	s24 =	sld [smem:$0x3FFE];
	[sflag:s23] =	ssyncadd.s32 $0xFFFFFFFF  }
0xa6: {  	s26 =	simm.s32 $execute0_lowered;
	[smem:$0x3FD2] =	sst s25  }
0xa7: {  	s6 =	sshll.u32 s26, $0x1;
	_ =	strace $0x80000046;
	[dreg:$0x1] =	wrdreg $0xFFFFFFFF  }
0xa8: {  	s28 =	simm.s32 $_size_execute0_lowered;
	s4 =	sadd.s32 s4, s6;
	[dreg:$0x0] =	wrdreg $0x0  }
0xa9: {  	s6 =	sshll.u32 s28, $0x1;
	[dreg:$0x2] =	wrdreg s4  }
0xaa: {  	[dreg:$0x3] =	wrdreg s6  }
0xab: {  	[dreg:$0x4] =	wrdreg $0xC0  }
0xac: {  	_ =	task [dreg:s8], $0x5FFFF  }
0xad: {  	[dreg:$0x1] =	wrdreg $0xFFFFFFFF  }
0xae: {  	[dreg:$0x0] =	wrdreg $0x60  }
0xaf: {  	[dreg:$0x2] =	wrdreg s24  }
0xb0: {  	[dreg:$0x3] =	wrdreg s18  }
0xb1: {  	[dreg:$0x4] =	wrdreg s2  }
0xb2: {  	[dreg:$0x5] =	wrdreg $0x89800  }
0xb3: {  	[dreg:$0x6] =	wrdreg $0x9  }
0xb4: {  	_ =	task.clear_ibuf [dreg:s8], $0x7FFFF;
	_ =	strace $0x90000046  }
0xb5: {  	s29 =	simm.s32 $0x9;
	_ =	strace $0x80000048  }
0xb6: {  	_ =	swait.ge [sflag:s29], $0x1  }
0xb7: {  	[sflag:s29] =	ssyncadd.s32 $0xFFFFFFFF  }
0xb8: {  	_ =	strace $0x90000048  }
0xb9: {  	_ =	sfence  }
0xba: {  	s30 =	sld [smem:$0x0];
	_ =	sdelay $0x2  }
0xbb: {  	s31 =	sshll.u32 s1, $0xD;
	s1 =	sshrl.u32 s1, $0x2  }
0xbc: {  	s3 =	sand.u32 $0x4000, s31;
	s1 =	sadd.s32 s1, s30  }
0xbd: {  	s0 =	sor.u32 s3, s0;
	s1 =	sshll.u32 s1, $0x11  }
0xbe: {  	s0 =	sor.u32 s1, s0  }
0xbf: {  	s0 =	sadd.s32 $0x8F2B, s0  }
0xc0: {  	[sflag:s0] =	ssyncadd.remote.s32 $0x1  }
0xc1: {  	_ =	sfence.sel $0xFFFF  }
0xc2: {  	[dreg:$0x0] =	wrdreg $0xFFFFFFFF;
	(pc) =	sbr.abs _section_cstart, $3  }
0xc3: {  	[dreg:$0x1] =	wrdreg $0xFFFFFFFF  }
0xc4: {  	_ =	task.clear_ibuf [dreg:s8], $0x2FFFF;
	_ =	strace $0x9FFFFFFF  }
0xc5: {  	(tm) =	ssettm $0x7FFFFFFF  }
tec
execute0_lowered:
.L_overlay_start_1:
0x0: {  	(tag) =	ssettag $0x1  }
0x1: {  	s0 =	rddreg [dreg:$0x0]  }
0x2: {  	s2 =	srdreg.scid;
	s1 =	rddreg [dreg:$0x1]  }
0x3: {  	s12 =	stileid.u32;
	s3 =	rddreg [dreg:$0x2];
	s29 =	simm.s32 $0x6900  }
0x4: {  	s30 =	simm.s32 $0x1;
	s31 =	simm.s32 $0x4;
	s8 =	smul.u32 $0x13C00, s12  }
0x5: {  	s28 =	simm.s32 $0x0;
	s2 =	sand.u32 $0x1, s2;
	s11 =	smul.u32 $0x4F000, s12  }
0x6: {  	s4 =	sshll.u32 s12, $0x1;
	s10 =	sadd.s32 $0xAE00, s0;
	s17 =	smul.u32 $0x4E20, s12  }
0x7: {  	s20 =	sshll.u32 s12, $0x6;
	s5 =	sor.u32 s2, s4;
	s7 =	smul.u32 $0x13C000, s2  }
0x8: {  	s4 =	rddreg [dreg:$0x3];
	s14 =	ssub.s32 $0x2, s2;
	s2 =	smul.u32 $0x2710, s2  }
0x9: {  	s6 =	smul.u32 $0x2710, s5;
	s5 =	simm.s32 $0x0;
	s15 =	sshrl.u32 s14, $0x1  }
0xa: {  	s19 =	sshrl.u32 s11, $0x2;
	[smem:$0x7FF] =	sst s5;
	s7 =	sadd.s32 s8, s7  }
0xb: {  	s16 =	ssub.s32 s14, s15;
	s15 =	sadd.s32 s19, s4;
	s2 =	sadd.s32 s2, s17  }
0xc: {  	s19 =	simm.s32 $0x8;
	s6 =	sshrl.u32 s6, $0x3;
	_ =	strace $0x80000047  }
0xd: {  	[dreg:$0x5] =	wrdreg s10;
	s7 =	sshrl.u32 s7, $0x3;
	s23 =	sadd.s32 $0x140, s2  }
0xe: {  	s25 =	sadd.s32 $0x100, s2;
	s9 =	sadd.s32 s6, s0;
	s6 =	sadd.s32 s1, s6  }
0xf: {  	s0 =	sadd.s32 s7, s0;
	s7 =	smax.u32 s16, $0x1;
	[dreg:$0x7] =	wrdreg s6  }
0x10: {  	s24 =	sshrl.u32 s23, $0x3;
	s18 =	sadd.s32 $0x1000, s9;
	[dreg:$0xc] =	wrdreg s7  }
0x11: {  	s26 =	sshrl.u32 s25, $0x3;
	s21 =	sadd.s32 $0x8, s6;
	[dreg:$0x6] =	wrdreg s18  }
0x12: {  	s23 =	simm.s32 $0x2900;
	s22 =	sadd.s32 $0x10, s6;
	[dreg:$0x8] =	wrdreg s21  }
0x13: {  	s25 =	simm.s32 $0x10;
	s6 =	sadd.s32 $0x4E0, s6;
	[dreg:$0x9] =	wrdreg s22  }
0x14: {  	s9 =	sor.u32 $0x1C08, s20;
	s0 =	sadd.s32 $0xD600, s0;
	[dreg:$0xa] =	wrdreg s6  }
.Ltmp0:
0x15: {  	s20 =	simm.s32 $0x7;
	[dreg:$0xb] =	wrdreg s0;
	(pc) =	sbr.rel .LBB2_1-.Ltmp0, $4  }
0x16: {  	s0 =	sadd.s32 s24, s1;
	s6 =	sadd.s32 $0xC0, s2;
	s18 =	sshrl.u32 s15, $0x3  }
0x17: {  	s21 =	simm.s32 $0x2780;
	s22 =	simm.s32 $0x40;
	s2 =	simm.s32 $0x3  }
0x18: {  	s24 =	simm.s32 $0x8900;
	[dreg:$0xd] =	wrdreg s0;
	s0 =	sadd.s32 s26, s1  }
0x19: {  	s26 =	simm.s32 $0x2880;
	[dreg:$0xe] =	wrdreg s0;
	s0 =	simm.s32 $0x6  }
.LBB2_4:
0x1a: {  	s7 =	rddreg [dreg:$0xa]  }
0x1b: {  	[tilespmem:s24], [sflag:$0x7] =	stream.linear.gather [hbm4b:s7+s5], $0x10, $0x38;
	[tilespmem:$0x1C580] =	vst v63  }
0x1c: {  	s15 =	simm.s32 $0x2700  }
0x1d: {  	[tilespmem:s23], [sflag:$0x4] =	stream.indirect.gather [hbm4b:s3+s25], $0x80, s15, s25, $0xb8;
	[tilespmem:$0x1C580] =	vst v63  }
0x1e: {  	_ =	swait.ge [sflag:s20], $0x10  }
0x1f: {  	[sflag:s20] =	ssyncset.done $0x0  }
0x20: {  	[sflag:s20] =	ssyncadd.s32 $0xFFFFFFF0  }
0x21: {  	_ =	swait.ge [sflag:s31], $0x800  }
0x22: {  	[sflag:s31] =	ssyncset.done $0x0  }
0x23: {  	[sflag:s31] =	ssyncadd.s32 $0xFFFFF800  }
0x24: {  	[spmem:s4] =	stream.indirect.scatter.add.f32 [tilespmem:s23], [sflag:$0x8], $0x80, s24, s25, $0xb8;
	[tilespmem:$0x1C580] =	vst v63  }
0x25: {  	_ =	swait.ge [sflag:s19], $0x800  }
0x26: {  	[sflag:s19] =	ssyncset.done $0x0  }
0x27: {  	[sflag:s19] =	ssyncadd.s32 $0xFFFFF800  }
0x28: {  	[bflag:$0x0] =	sbarrier.arrive $0xFFFF  }
0x29: {  	s16 =	rddreg [dreg:$0xb]  }
0x2a: {  	[hbm:s16], [sflag:s9] =	dma.local [spmem:s18], $0x2780  }
0x2b: {  	_ =	swait.ge [sflag:s19], $0x2780  }
0x2c: {  	s28 =	sadd.s32 $0x1, s28;
	s17 =	rddreg [dreg:$0xc]  }
0x2d: {  	p0 =	sne.s32 s28, s17  }
.Ltmp1:
0x2e: {  	_ = 	snop;
	(pc) =	sbr.rel @!p0 .LBB2_5-.Ltmp1, $3  }
0x2f: {  	_ =	sdelay $0x1  }
0x30: {  	[sflag:s19] =	ssyncset.done $0x0  }
0x31: {  	[sflag:s19] =	ssyncadd.s32 $0xFFFFD880  }
.LBB2_1:
0x32: {  	s7 =	rddreg [dreg:$0x6]  }
0x33: {  	s12 =	rddreg [dreg:$0x5]  }
0x34: {  	[tilespmem:s5], [sflag:$0x7] =	stream.linear.gather [hbm4b:s7+s5], $0x2710, $0x38;
	[tilespmem:$0x1C580] =	vst v63  }
0x35: {  	[spmem:s18], [sflag:s9] =	dma.local [hbm:s12], $0x2780  }
0x36: {  	_ =	swait.ge [sflag:s19], $0x2780  }
0x37: {  	[sflag:s19] =	ssyncset.done $0x0  }
0x38: {  	[sflag:s19] =	ssyncadd.s32 $0xFFFFD880  }
0x39: {  	_ =	swait.ge [sflag:s20], $0x2710  }
0x3a: {  	[sflag:s20] =	ssyncset.done $0x0  }
0x3b: {  	[sflag:s20] =	ssyncadd.s32 $0xFFFFD8F0  }
0x3c: {  	[bflag:$0x0] =	sbarrier.arrive $0xFFFF  }
0x3d: {  	s13 =	rddreg [dreg:$0x7]  }
0x3e: {  	[tilespmem:s21], [sflag:$0x1] =	stream.linear.gather [hbm4b:s13+s5], $0x40, $0x38;
	[tilespmem:$0x1C580] =	vst v63  }
0x3f: {  	_ = 	snop  }
0x40: {  	[tilespmem:s23], [sflag:$0x4] =	stream.indirect.gather [hbm4b:s3+s22], $0x80, s5, s22, $0xb8;
	[tilespmem:$0x1C580] =	vst v63  }
0x41: {  	s8 =	simm.s32 $0x2800;
	s14 =	rddreg [dreg:$0x8]  }
0x42: {  	[tilespmem:s8], [sflag:$0x2] =	stream.linear.gather [hbm4b:s14+s5], $0x40, $0x38;
	[tilespmem:$0x1C580] =	vst v63  }
0x43: {  	s15 =	simm.s32 $0x4900  }
0x44: {  	[tilespmem:s15], [sflag:$0x5] =	stream.indirect.gather [hbm4b:s3+s22], $0x80, s22, s22, $0xb8;
	[tilespmem:$0x1C580] =	vst v63  }
0x45: {  	s16 =	rddreg [dreg:$0x9]  }
0x46: {  	[tilespmem:s26], [sflag:$0x3] =	stream.linear.gather [hbm4b:s16+s5], $0x40, $0x38;
	[tilespmem:$0x1C580] =	vst v63  }
0x47: {  	s17 =	simm.s32 $0x80;
	s15 =	rddreg [dreg:$0xd]  }
0x48: {  	[tilespmem:s29], [sflag:$0x6] =	stream.indirect.gather [hbm4b:s3+s22], $0x80, s17, s22, $0xb8;
	[tilespmem:$0x1C580] =	vst v63  }
0x49: {  	s10 =	simm.s32 $0x0;
	s16 =	rddreg [dreg:$0xe];
	s17 =	smov.u32 s6  }
.LBB2_2:
0x4a: {  	_ =	swait.ge [sflag:s30], $0x40  }
0x4b: {  	[sflag:s30] =	ssyncset.done $0x0  }
0x4c: {  	[sflag:s30] =	ssyncadd.s32 $0xFFFFFFC0  }
0x4d: {  	_ =	swait.ge [sflag:s31], $0x2000  }
0x4e: {  	[sflag:s31] =	ssyncset.done $0x0  }
0x4f: {  	[sflag:s31] =	ssyncadd.s32 $0xFFFFE000  }
0x50: {  	[spmem:s4] =	stream.indirect.scatter.add.f32 [tilespmem:s23], [sflag:$0x8], $0x80, s21, s22, $0xb8;
	[tilespmem:$0x1C580] =	vst v63  }
0x51: {  	_ =	swait.ge [sflag:s19], $0x2000  }
0x52: {  	p0 =	seq.s32 s10, $0x9900;
	[sflag:s19] =	ssyncset.done $0x0  }
0x53: {  	s12 =	simm.s32 @p0 $0x2;
	[sflag:s19] =	ssyncadd.s32 $0xFFFFE000  }
0x54: {  	_ =	swait.ge @p0 [sflag:s12], $0x40  }
0x55: {  	[sflag:s12] =	ssyncset.done @p0 $0x0  }
0x56: {  	[sflag:s12] =	ssyncadd.s32 @p0 $0xFFFFFFC0;
	s12 =	simm.s32 @p0 $0x5  }
0x57: {  	_ =	swait.ge @p0 [sflag:s12], $0x2000  }
0x58: {  	s13 =	simm.s32 @p0 $0x2800;
	[sflag:s12] =	ssyncset.done @p0 $0x0  }
0x59: {  	s14 =	simm.s32 @p0 $0x4900;
	[sflag:s12] =	ssyncadd.s32 @p0 $0xFFFFE000;
	s12 =	simm.s32 @p0 $0x40  }
0x5a: {  	[spmem:s4] =	stream.indirect.scatter.add.f32 @p0 [tilespmem:s14], [sflag:$0x8], $0x80, s13, s12, $0xb8;
	[tilespmem:$0x1C580] =	vst v63  }
0x5b: {  	s12 =	simm.s32 @p0 $0x8  }
0x5c: {  	_ =	swait.ge @p0 [sflag:s12], $0x2000  }
0x5d: {  	[sflag:s12] =	ssyncset.done @p0 $0x0  }
0x5e: {  	[sflag:s12] =	ssyncadd.s32 @p0 $0xFFFFE000;
	s12 =	sshrl.u32 @!p0 s17, $0x3  }
0x5f: {  	s13 =	simm.s32 @!p0 $0x0;
	s14 =	simm.s32 @!p0 $0x2780;
	s12 =	sadd.s32 @!p0 s1, s12  }
0x60: {  	[tilespmem:s14], [sflag:$0x1] =	stream.linear.gather @!p0 [hbm4b:s12+s13], $0x40, $0x38;
	[tilespmem:$0x1C580] =	vst v63  }
0x61: {  	s12 =	sshra.s32 @!p0 s10, $0x2  }
0x62: {  	s11 =	simm.s32 @!p0 $0x40;
	s7 =	simm.s32 @!p0 $0x2900;
	s14 =	sadd.s32 @!p0 $0xC0, s12  }
0x63: {  	[tilespmem:s7], [sflag:$0x4] =	stream.indirect.gather @!p0 [hbm4b:s3+s11], $0x80, s14, s11, $0xb8;
	[tilespmem:$0x1C580] =	vst v63  }
0x64: {  	s7 =	simm.s32 @!p0 $0x2  }
0x65: {  	_ =	swait.ge @!p0 [sflag:s7], $0x40  }
0x66: {  	[sflag:s7] =	ssyncset.done @!p0 $0x0  }
0x67: {  	[sflag:s7] =	ssyncadd.s32 @!p0 $0xFFFFFFC0;
	s7 =	simm.s32 @!p0 $0x5  }
0x68: {  	_ =	swait.ge @!p0 [sflag:s7], $0x2000  }
0x69: {  	s8 =	simm.s32 @!p0 $0x8;
	[sflag:s7] =	ssyncset.done @!p0 $0x0  }
0x6a: {  	s14 =	simm.s32 @!p0 $0x4900;
	[sflag:s7] =	ssyncadd.s32 @!p0 $0xFFFFE000;
	s7 =	simm.s32 @!p0 $0x2800  }
0x6b: {  	[spmem:s4] =	stream.indirect.scatter.add.f32 @!p0 [tilespmem:s14], [sflag:$0x8], $0x80, s7, s11, $0xb8;
	[tilespmem:$0x1C580] =	vst v63  }
0x6c: {  	_ =	swait.ge @!p0 [sflag:s8], $0x2000  }
0x6d: {  	[sflag:s8] =	ssyncset.done @!p0 $0x0  }
0x6e: {  	[sflag:s8] =	ssyncadd.s32 @!p0 $0xFFFFE000  }
0x6f: {  	[tilespmem:s7], [sflag:$0x2] =	stream.linear.gather @!p0 [hbm4b:s16+s13], $0x40, $0x38;
	[tilespmem:$0x1C580] =	vst v63  }
0x70: {  	s7 =	sadd.s32 @!p0 $0x100, s12  }
0x71: {  	[tilespmem:s14], [sflag:$0x5] =	stream.indirect.gather @!p0 [hbm4b:s3+s11], $0x80, s7, s11, $0xb8;
	[tilespmem:$0x1C580] =	vst v63  }
0x72: {  	_ =	swait.ge [sflag:s2], $0x40  }
0x73: {  	[sflag:s2] =	ssyncset.done $0x0  }
0x74: {  	[sflag:s2] =	ssyncadd.s32 $0xFFFFFFC0  }
0x75: {  	_ =	swait.ge [sflag:s0], $0x2000  }
0x76: {  	[sflag:s0] =	ssyncset.done $0x0  }
.Ltmp2:
0x77: {  	[sflag:s0] =	ssyncadd.s32 $0xFFFFE000;
	(pc) =	sbr.rel @p0 .LBB2_4-.Ltmp2, $4  }
0x78: {  	[spmem:s4] =	stream.indirect.scatter.add.f32 [tilespmem:s29], [sflag:$0x8], $0x80, s26, s22, $0xb8;
	[tilespmem:$0x1C580] =	vst v63  }
0x79: {  	_ =	swait.ge [sflag:s19], $0x2000  }
0x7a: {  	[sflag:s19] =	ssyncset.done $0x0  }
0x7b: {  	[sflag:s19] =	ssyncadd.s32 $0xFFFFE000  }
.Ltmp3:
0x7c: {  	(pc) =	sbr.rel .LBB2_2-.Ltmp3, $4  }
0x7d: {  	[tilespmem:s26], [sflag:$0x3] =	stream.linear.gather [hbm4b:s15+s5], $0x40, $0x38;
	[tilespmem:$0x1C580] =	vst v63  }
0x7e: {  	s7 =	sshra.s32 s10, $0x2;
	s15 =	sadd.s32 $0x18, s15;
	s10 =	sadd.s32 $0x300, s10  }
0x7f: {  	s16 =	sadd.s32 $0x18, s16;
	s17 =	sadd.s32 $0xC0, s17;
	s7 =	sadd.s32 $0x140, s7  }
0x80: {  	[tilespmem:s29], [sflag:$0x6] =	stream.indirect.gather [hbm4b:s3+s22], $0x80, s7, s22, $0xb8;
	[tilespmem:$0x1C580] =	vst v63  }
.LBB2_5:
0x81: {  	_ =	sfence.sel $0x180000  }
0x82: {  	[bflag:$0x0] =	sbarrier.arrive $0xFFFF  }
0x83: {  	_ =	strace $0x90000047  }
0x84: {  	s0 =	stileid.u32;
	[bflag:$0x2] =	sbarrier.arrive $0xFFFF  }
0x85: {  	p0 =	sne.s32 s0, $0x0;
	s0 =	rddreg [dreg:$0x4]  }
0x86: {  	s0 =	sadd.s32 @!p0 $0x100000, s0  }
0x87: {  	[sflag:s0] =	ssyncadd.tile.s32 @!p0 $0x1;
	_ =	shalt  }
.Lfunc_end2:
_tile_overlayer_lowered:
.L_overlay_start_2:
0x88: {  	(tag) =	ssettag $0x2  }
0x89: {  	s0 =	rddreg [dreg:$0x0];
	s2 =	stileid.u32  }
0x8a: {  	s1 =	rddreg [dreg:$0x1];
	p0 =	sne.s32 s2, $0x0  }
0x8b: {  	s3 =	rddreg [dreg:$0x2];
	[bflag:$0x3] =	sbarrier.arrive $0xFFFF;
	s2 =	simm.s32 @!p0 $0x1C08  }
0x8c: {  	[timem:s3], [sflag:s2] =	dma.local @!p0 [hbm:s0], s1  }
0x8d: {  	s0 =	simm.s32 @!p0 $0x8  }
0x8e: {  	_ =	swait.ge @!p0 [sflag:s0], s1  }
0x8f: {  	s1 =	ssub.s32 @!p0 $0x0, s1;
	[sflag:s0] =	ssyncset.done @!p0 $0x0  }
0x90: {  	[sflag:s0] =	ssyncadd.s32 @!p0 s1  }
0x91: {  	[bflag:$0x3] =	sbarrier.arrive $0xFFFF  }
0x92: {  	_ =	shalt  }

// kernel: kernel.8.cloned.1.call-start
scs
__scs_entry_jumppad:
0x0: {  	(pc) =	sbr.rel $0x88, $3  }
0x1: {  	(tag) =	ssettag $0x0;
	lr =	simm.s32 $0x1  }
0x2: {  	[smem:$0x3F9C] =	sst lr;
	_ =	strace $0xD0000000  }
0x3: {  	_ = 	snop  }
0x4: {  	_ = 	snop  }
0x5: {  	_ = 	snop  }
0x6: {  	_ = 	snop  }
0x7: {  	_ = 	snop  }
__scs_overlays_trampoline_lowered:
0x8: {  	[smem:$0x3FAB] =	sst s0  }
0x9: {  	[smem:$0x3FAC] =	sst s1  }
0xa: {  	[smem:$0x3FAD] =	sst s2  }
0xb: {  	[smem:$0x3FAE] =	sst s3  }
0xc: {  	[smem:$0x3FAF] =	sst s4  }
0xd: {  	[smem:$0x3FB0] =	sst s5  }
0xe: {  	[smem:$0x3FB1] =	sst s6  }
0xf: {  	[smem:$0x3FB2] =	sst s7  }
0x10: {  	[smem:$0x3FB3] =	sst s8  }
0x11: {  	[smem:$0x3FB4] =	sst s9;
	s0 =	simm.s32 @!p0 $0x0  }
0x12: {  	s1 =	sld [smem:$0x3F9A];
	s0 =	simm.s32 @p0 $0x1  }
0x13: {  	[smem:$0x3FB5] =	sst s0;
	s0 =	simm.s32 @!p1 $0x0  }
0x14: {  	s2 =	sld [smem:$0x3F99];
	s0 =	simm.s32 @p1 $0x1  }
0x15: {  	[smem:$0x3FB6] =	sst s0;
	s0 =	simm.s32 @!p2 $0x0  }
0x16: {  	s3 =	sld [smem:$0x3FDB];
	s0 =	simm.s32 @p2 $0x1  }
0x17: {  	s4 =	simm.s32 $0x1BF5;
	[smem:$0x3FB8] =	sst s0  }
0x18: {  	s0 =	sld [smem:$0x3F9B];
	_ =	swait.ge [sflag:s4], $0x0  }
0x19: {  	s7 =	sld [smem:$0x3F9C]  }
0x1a: {  	s8 =	sadd.s32 $0xFFFFE003, lr  }
0x1b: {  	s9 =	sadd.s32 $0xFFFFFEF7, lr;
	s5 =	simm.s32 $0xFFFFFFFF;
	p2 =	slt.u32 s8, $0xFFFFF086  }
0x1c: {  	p1 =	slt.u32 s9, $0xF7A;
	s5 =	simm.s32 @!p2 $0x0  }
0x1d: {  	s5 =	simm.s32 @p1 $0x1;
	p0 =	seq.s32 s7, s2  }
0x1e: {  	s7 =	smul.u32 @!p0 $0xF7A, s2;
	p2 =	seq.s32 @!p0 s5, $0x0  }
0x1f: {  	s9 =	smul.u32 $0xF7A, s1;
	s8 =	simm.s32 @!p0 $0x1BF5;
	p2 =	por !p2, p0  }
0x20: {  	[sflag:s8] =	ssyncset.s32 @!p0 $0xFFFFF086;
	s6 =	sadd.s32 @!p0 s3, s7;
	s7 =	simm.s32 @!p0 $0x108  }
0x21: {  	s3 =	sadd.s32 s3, s9;
	s6 =	sadd.s32 @!p0 $0x88, s6;
	s7 =	simm.s32 @p2 $0x1082  }
0x22: {  	[simem:s7], [sflag:s8] =	dma.local @!p0 [hbm:s6], $0xF7A  }
0x23: {  	s9 =	sor.u32 $0xD0000000, s2;
	s6 =	simm.s32 $0x108;
	_ =	swait.ge @!p0 [sflag:s8], $0x0  }
0x24: {  	s3 =	sadd.s32 $0x88, s3;
	s6 =	simm.s32 @!p1 $0x1082;
	[sflag:s4] =	ssyncset.s32 $0xFFFFF086  }
0x25: {  	[simem:s6], [sflag:s4] =	dma.local [hbm:s3], $0xF7A  }
0x26: {  	[smem:$0x3F9C] =	sst s1;
	(tag) =	ssettag s2;
	_ =	strace s9  }
0x27: {  	s1 =	sld [smem:$0x3FAC]  }
0x28: {  	s2 =	sld [smem:$0x3FAD]  }
0x29: {  	s4 =	sld [smem:$0x3FAF]  }
0x2a: {  	p0 =	seq.s32 s5, $0x0;
	s5 =	sld [smem:$0x3FB0]  }
0x2b: {  	s6 =	sld [smem:$0x3FB1]  }
0x2c: {  	s7 =	sld [smem:$0x3FB2]  }
0x2d: {  	s3 =	simm.s32 $0x108;
	s8 =	sld [smem:$0x3FB3]  }
0x2e: {  	s3 =	simm.s32 @!p0 $0x1082;
	s9 =	sld [smem:$0x3FB4]  }
0x2f: {  	lr =	sadd.s32 s0, s3;
	s0 =	sld [smem:$0x3FAB]  }
0x30: {  	s3 =	sld [smem:$0x3FAE]  }
0x31: {  	[smem:$0x3FB7] =	sst s10  }
0x32: {  	s10 =	sld [smem:$0x3FB5];
	_ =	sdelay $0x3  }
0x33: {  	p0 =	seq.s32 s10, $0x1;
	s10 =	sld [smem:$0x3FB7];
	_ =	sdelay $0x3  }
0x34: {  	[smem:$0x3FB7] =	sst s10  }
0x35: {  	s10 =	sld [smem:$0x3FB6];
	_ =	sdelay $0x3  }
0x36: {  	p1 =	seq.s32 s10, $0x1;
	s10 =	sld [smem:$0x3FB7];
	_ =	sdelay $0x3  }
0x37: {  	[smem:$0x3FB7] =	sst s10  }
0x38: {  	s10 =	sld [smem:$0x3FB8]  }
0x39: {  	_ = 	snop;
	(pc) =	sbr.ind lr, $3  }
0x3a: {  	_ = 	snop  }
0x3b: {  	_ = 	snop  }
0x3c: {  	p2 =	seq.s32 s10, $0x1;
	s10 =	sld [smem:$0x3FB7]  }
0x3d: {  	_ =	shalt  }
0x3e: {  	_ =	shalt  }
0x3f: {  	_ =	shalt  }
0x40: {  	_ =	shalt  }
0x41: {  	_ =	shalt  }
0x42: {  	_ =	shalt  }
0x43: {  	_ =	shalt  }
0x44: {  	_ =	shalt  }
0x45: {  	_ =	shalt  }
0x46: {  	_ =	shalt  }
0x47: {  	_ =	shalt  }
0x48: {  	_ =	shalt  }
0x49: {  	_ =	shalt  }
0x4a: {  	_ =	shalt  }
0x4b: {  	_ =	shalt  }
0x4c: {  	_ =	shalt  }
0x4d: {  	_ =	shalt  }
0x4e: {  	_ =	shalt  }
0x4f: {  	_ =	shalt  }
0x50: {  	_ =	shalt  }
0x51: {  	_ =	shalt  }
0x52: {  	_ =	shalt  }
0x53: {  	_ =	shalt  }
0x54: {  	_ =	shalt  }
0x55: {  	_ =	shalt  }
0x56: {  	_ =	shalt  }
0x57: {  	_ =	shalt  }
0x58: {  	_ =	shalt  }
0x59: {  	_ =	shalt  }
0x5a: {  	_ =	shalt  }
0x5b: {  	_ =	shalt  }
0x5c: {  	_ =	shalt  }
0x5d: {  	_ =	shalt  }
0x5e: {  	_ =	shalt  }
0x5f: {  	_ =	shalt  }
0x60: {  	_ =	shalt  }
0x61: {  	_ =	shalt  }
0x62: {  	_ =	shalt  }
0x63: {  	_ =	shalt  }
0x64: {  	_ =	shalt  }
0x65: {  	_ =	shalt  }
0x66: {  	_ =	shalt  }
0x67: {  	_ =	shalt  }
0x68: {  	_ =	shalt  }
0x69: {  	_ =	shalt  }
0x6a: {  	_ =	shalt  }
0x6b: {  	_ =	shalt  }
0x6c: {  	_ =	shalt  }
0x6d: {  	_ =	shalt  }
0x6e: {  	_ =	shalt  }
0x6f: {  	_ =	shalt  }
0x70: {  	_ =	shalt  }
0x71: {  	_ =	shalt  }
0x72: {  	_ =	shalt  }
0x73: {  	_ =	shalt  }
0x74: {  	_ =	shalt  }
0x75: {  	_ =	shalt  }
0x76: {  	_ =	shalt  }
0x77: {  	_ =	shalt  }
0x78: {  	_ =	shalt  }
0x79: {  	_ =	shalt  }
0x7a: {  	_ =	shalt  }
0x7b: {  	_ =	shalt  }
0x7c: {  	_ =	shalt  }
0x7d: {  	_ =	shalt  }
0x7e: {  	_ =	shalt  }
0x7f: {  	_ =	shalt  }
0x80: {  	_ =	shalt  }
0x81: {  	_ =	shalt  }
0x82: {  	_ =	shalt  }
0x83: {  	_ =	shalt  }
0x84: {  	_ =	shalt  }
0x85: {  	_ =	shalt  }
0x86: {  	_ =	shalt  }
0x87: {  	_ =	shalt  }
.Lfunc_end0:
.L_simem_size_0:
called_computation.1_lowered:
.L_overlay_start_0:
0x88: {  	s2 =	sld [smem:$0x3FD9]  }
0x89: {  	s3 =	sld [smem:$0x3FFE];
	_ =	sdelay $0x1  }
0x8a: {  	s1 =	srdreg.scid  }
0x8b: {  	s0 =	sand.u32 $0x1, s1  }
0x8c: {  	s17 =	sshll.u32 s0, $0xA;
	s2 =	sadd.s32 s3, s2  }
0x8d: {  	s2 =	sadd.s32 s2, s17  }
0x8e: {  	[smem:$0x3FC3] =	sst s2  }
0x8f: {  	_ = 	snop  }
0x90: {  	s18 =	sld [smem:$0x3FD0];
	(tm) =	ssettm $0x1  }
0x91: {  	s19 =	sld [smem:$0x3FFB];
	_ =	sdelay $0x3  }
0x92: {  	_ =	strace s19  }
0x93: {  	s2 =	sld [smem:$0x3FFC];
	_ =	sdelay $0x3  }
0x94: {  	_ =	strace s2  }
0x95: {  	s2 =	sld [smem:$0x3FFD];
	_ =	sdelay $0x3  }
0x96: {  	_ =	strace s2  }
0x97: {  	_ =	strace $0x8FFFFFFF  }
0x98: {  	s20 =	sld [smem:$0x3FDB];
	_ =	sdelay $0x1  }
0x99: {  	s4 =	simm.s32 $_scs_section_size  }
0x9a: {  	s5 =	simm.s32 $_size__tile_overlayer_lowered;
	s6 =	simm.s32 $_tile_overlayer_lowered  }
0x9b: {  	s7 =	simm.s32 $0x1BFF;
	s21 =	sshll.u32 s6, $0x1;
	s4 =	sadd.s32 s4, s20  }
0x9c: {  	s22 =	simm.s32 $0x0;
	s5 =	sshll.u32 s5, $0x1;
	s6 =	sadd.s32 s21, s4  }
0x9d: {  	[timem:s22], [sflag:s7] =	dma.local [hbm:s6], s5  }
0x9e: {  	_ =	swait.ge [sflag:s7], s5  }
0x9f: {  	s5 =	ssub.s32 $0x0, s5;
	[sflag:s7] =	ssyncset.done $0x0  }
0xa0: {  	[sflag:s7] =	ssyncadd.s32 s5;
	_ =	sdelay $0x1  }
0xa1: {  	s23 =	simm.s32 $0x1B8B  }
0xa2: {  	_ =	swait.ge [sflag:s23], $0x1  }
0xa3: {  	[sflag:s23] =	ssyncset.done $0x0  }
0xa4: {  	[sflag:s23] =	ssyncadd.s32 $0xFFFFFFFF  }
0xa5: {  	s5 =	sld [smem:$0x0]  }
0xa6: {  	s6 =	sand.u32 $0xFFFFFFFE, s1  }
0xa7: {  	p0 =	sne.s32 s1, s6  }
0xa8: {  	s6 =	sshll.u32 @p0 s6, $0xE  }
0xa9: {  	s6 =	sadd.s32 @p0 $0x11B8D, s6;
	s7 =	sshll.u32 @p0 s5, $0x11  }
0xaa: {  	s6 =	sor.u32 @p0 s7, s6  }
0xab: {  	[sflag:s6] =	ssyncadd.remote.s32 @p0 $0x1;
	_ =	sdelay $0x1  }
0xac: {  	s6 =	simm.s32 @p0 $0x1B8D  }
0xad: {  	_ =	swait.eq @p0 [sflag:s6], $0x1  }
0xae: {  	[sflag:s6] =	ssyncadd.s32 @p0 $0xFFFFFFFF  }
0xaf: {  	s7 =	sshll.u32 @!p0 s1, $0xE  }
0xb0: {  	s7 =	sor.u32 @!p0 $0x4000, s7;
	s6 =	simm.s32 @!p0 $0x1B8D  }
0xb1: {  	s5 =	sshll.u32 @!p0 s5, $0x11;
	s7 =	sadd.s32 @!p0 $0x11B8D, s7;
	_ =	swait.eq @!p0 [sflag:s6], $0x1  }
0xb2: {  	s5 =	sor.u32 @!p0 s5, s7;
	[sflag:s6] =	ssyncadd.s32 @!p0 $0xFFFFFFFF  }
0xb3: {  	s25 =	simm.s32 $0x1B8E;
	s24 =	sld [smem:$0x3FFE];
	[sflag:s5] =	ssyncadd.remote.s32 @!p0 $0x1  }
0xb4: {  	s26 =	simm.s32 $execute0_lowered;
	[smem:$0x3FD2] =	sst s25  }
0xb5: {  	s6 =	sshll.u32 s26, $0x1;
	_ =	strace $0x80000049;
	[dreg:$0x1] =	wrdreg $0xFFFFFFFF  }
0xb6: {  	s28 =	simm.s32 $_size_execute0_lowered;
	s4 =	sadd.s32 s4, s6;
	[dreg:$0x0] =	wrdreg $0x0  }
0xb7: {  	s6 =	sshll.u32 s28, $0x1;
	[dreg:$0x2] =	wrdreg s4  }
0xb8: {  	[dreg:$0x3] =	wrdreg s6  }
0xb9: {  	[dreg:$0x4] =	wrdreg $0xC0  }
0xba: {  	_ =	task [dreg:s22], $0x5FFFF  }
0xbb: {  	[dreg:$0x1] =	wrdreg $0xFFFFFFFF  }
0xbc: {  	[dreg:$0x0] =	wrdreg $0x60  }
0xbd: {  	[dreg:$0x2] =	wrdreg s18  }
0xbe: {  	[dreg:$0x3] =	wrdreg s24  }
0xbf: {  	[dreg:$0x4] =	wrdreg $0x41800  }
0xc0: {  	[dreg:$0x5] =	wrdreg $0xA  }
0xc1: {  	_ =	task.clear_ibuf [dreg:s22], $0x6FFFF;
	_ =	strace $0x90000049  }
0xc2: {  	s29 =	simm.s32 $0xA;
	_ =	strace $0x8000004B  }
0xc3: {  	_ =	swait.ge [sflag:s29], $0x1  }
0xc4: {  	[sflag:s29] =	ssyncadd.s32 $0xFFFFFFFF  }
0xc5: {  	_ =	strace $0x9000004B  }
0xc6: {  	_ =	sfence  }
0xc7: {  	s30 =	sld [smem:$0x0];
	_ =	sdelay $0x2  }
0xc8: {  	s31 =	sshll.u32 s1, $0xD;
	s1 =	sshrl.u32 s1, $0x2  }
0xc9: {  	s4 =	sand.u32 $0x4000, s31;
	s1 =	sadd.s32 s1, s30  }
0xca: {  	s0 =	sor.u32 s4, s0;
	s1 =	sshll.u32 s1, $0x11  }
0xcb: {  	s0 =	sor.u32 s1, s0  }
0xcc: {  	s0 =	sadd.s32 $0x8F2B, s0  }
0xcd: {  	[sflag:s0] =	ssyncadd.remote.s32 $0x1  }
0xce: {  	_ =	sfence.sel $0xFFFF  }
0xcf: {  	[dreg:$0x0] =	wrdreg $0xFFFFFFFF;
	(pc) =	sbr.abs _section_cstart, $3  }
0xd0: {  	[dreg:$0x1] =	wrdreg $0xFFFFFFFF  }
0xd1: {  	_ =	task.clear_ibuf [dreg:s22], $0x2FFFF;
	_ =	strace $0x9FFFFFFF  }
0xd2: {  	(tm) =	ssettm $0x7FFFFFFF  }
0xd3: {  	_ =	shalt  }
tec
execute0_lowered:
.L_overlay_start_1:
0x0: {  	(tag) =	ssettag $0x1  }
0x1: {  	s1 =	rddreg [dreg:$0x0]  }
0x2: {  	s7 =	rddreg [dreg:$0x1]  }
0x3: {  	s2 =	rddreg [dreg:$0x2]  }
0x4: {  	s3 =	srdreg.scid;
	s0 =	rddreg [dreg:$0x3]  }
0x5: {  	s4 =	simm.s32 $0x0;
	s17 =	simm.s32 $0x100;
	s18 =	simm.s32 $0x80  }
0x6: {  	s19 =	simm.s32 $0x1;
	s20 =	simm.s32 $0x2;
	s8 =	sand.u32 $0x1, s3  }
0x7: {  	s21 =	simm.s32 $0x4100;
	s3 =	stileid.u32;
	s6 =	smul.u32 $0x13C000, s8  }
0x8: {  	s22 =	simm.s32 $0x10;
	s23 =	simm.s32 $0x0;
	s9 =	smul.u32 $0x13C00, s3  }
0x9: {  	[smem:$0x7FF] =	sst s4;
	s5 =	sshll.u32 s3, $0x1;
	s11 =	smul.u32 $0x4F000, s3  }
0xa: {  	_ =	strace $0x8000004A;
	s28 =	ssub.s32 $0x2, s8;
	s29 =	smul.u32 $0x4E20, s3  }
0xb: {  	s31 =	sshll.u32 s3, $0x6;
	s10 =	sor.u32 s8, s5;
	s5 =	sadd.s32 $0xAE00, s7  }
0xc: {  	s13 =	sshrl.u32 s28, $0x1;
	s8 =	smul.u32 $0x2710, s8;
	s9 =	sadd.s32 s9, s6  }
0xd: {  	s10 =	smul.u32 $0x2710, s10;
	s6 =	sadd.s32 $0x5C600, s7;
	s11 =	sshrl.u32 s11, $0x2  }
0xe: {  	s13 =	ssub.s32 s28, s13;
	s9 =	sshrl.u32 s9, $0x3;
	s15 =	sadd.s32 s11, s2  }
0xf: {  	s14 =	sadd.s32 s8, s29;
	s8 =	sor.u32 $0x1C03, s31;
	s12 =	sadd.s32 s9, s7  }
0x10: {  	s30 =	sshrl.u32 s10, $0x3;
	s16 =	sadd.s32 $0x180, s14;
	s14 =	sadd.s32 $0x100, s14  }
0x11: {  	s15 =	sshrl.u32 s15, $0x3;
	s7 =	sadd.s32 s1, s30;
	s11 =	sadd.s32 $0x5CE00, s12  }
0x12: {  	s16 =	sshrl.u32 s16, $0x3;
	s12 =	smax.u32 s13, $0x1;
	s9 =	sadd.s32 $0x10, s7  }
0x13: {  	s10 =	sadd.s32 $0x4E0, s7;
	s13 =	sadd.s32 s16, s1;
	s16 =	simm.s32 $0x3  }
.LBB2_1:
0x14: {  	[spmem:s15], [sflag:s8] =	dma.local [hbm:s5], $0x2780  }
0x15: {  	_ =	swait.ge [sflag:s16], $0x2780  }
0x16: {  	[sflag:s16] =	ssyncset.done $0x0  }
0x17: {  	[sflag:s16] =	ssyncadd.s32 $0xFFFFD880  }
0x18: {  	[tilespmem:s17], [sflag:$0x3] =	stream.linear.gather [hbm4b:s6+s4], $0x4000, $0x38;
	[tilespmem:$0x17D80] =	vst v63  }
0x19: {  	_ =	swait.ge [sflag:s16], $0x4000  }
0x1a: {  	[sflag:s16] =	ssyncset.done $0x0  }
0x1b: {  	[sflag:s16] =	ssyncadd.s32 $0xFFFFC000  }
0x1c: {  	[bflag:$0x0] =	sbarrier.arrive $0xFFFF  }
0x1d: {  	[tilespmem:s4], [sflag:$0x1] =	stream.linear.gather [hbm4b:s7+s4], $0x80, $0x38;
	[tilespmem:$0x17D80] =	vst v63  }
0x1e: {  	_ = 	snop  }
0x1f: {  	[tilespmem:s18], [sflag:$0x2] =	stream.linear.gather [hbm4b:s9+s4], $0x80, $0x38;
	[tilespmem:$0x17D80] =	vst v63  }
0x20: {  	_ =	swait.ge [sflag:s19], $0x80  }
0x21: {  	[sflag:s19] =	ssyncset.done $0x0  }
0x22: {  	[sflag:s19] =	ssyncadd.s32 $0xFFFFFF80  }
0x23: {  	[spmem:s2] =	stream.indirect.scatter.add.f32 [tilespmem:s17], [sflag:$0x3], $0x80, s4, s18, $0xb8;
	[tilespmem:$0x17D80] =	vst v63  }
0x24: {  	_ =	swait.ge [sflag:s16], $0x4000  }
0x25: {  	s24 =	sshrl.u32 s14, $0x3;
	[sflag:s16] =	ssyncset.done $0x0  }
0x26: {  	s24 =	sadd.s32 s1, s24;
	[sflag:s16] =	ssyncadd.s32 $0xFFFFC000  }
0x27: {  	[tilespmem:s4], [sflag:$0x1] =	stream.linear.gather [hbm4b:s24+s4], $0x80, $0x38;
	[tilespmem:$0x17D80] =	vst v63  }
0x28: {  	_ =	swait.ge [sflag:s20], $0x80  }
0x29: {  	[sflag:s20] =	ssyncset.done $0x0  }
0x2a: {  	[sflag:s20] =	ssyncadd.s32 $0xFFFFFF80  }
0x2b: {  	[spmem:s2] =	stream.indirect.scatter.add.f32 [tilespmem:s17], [sflag:$0x3], $0x80, s18, s18, $0xb8;
	[tilespmem:$0x17D80] =	vst v63  }
0x2c: {  	_ =	swait.ge [sflag:s16], $0x4000  }
0x2d: {  	s26 =	sadd.s32 $0x0, s13;
	[sflag:s16] =	ssyncset.done $0x0  }
0x2e: {  	s25 =	sadd.s32 $0x100, s14;
	s24 =	simm.s32 $0x20;
	[sflag:s16] =	ssyncadd.s32 $0xFFFFC000  }
.LBB2_2:
0x2f: {  	[tilespmem:s18], [sflag:$0x2] =	stream.linear.gather [hbm4b:s26+s4], $0x80, $0x38;
	[tilespmem:$0x17D80] =	vst v63  }
0x30: {  	s26 =	smov.u32 s24  }
0x31: {  	p0 =	sne.s32 s24, $0x4A0;
	s24 =	sadd.s32 $0x20, s24;
	_ =	swait.ge [sflag:s19], $0x80  }
0x32: {  	[sflag:s19] =	ssyncset.done $0x0  }
0x33: {  	[sflag:s19] =	ssyncadd.s32 $0xFFFFFF80  }
0x34: {  	[spmem:s2] =	stream.indirect.scatter.add.f32 [tilespmem:s17], [sflag:$0x3], $0x80, s4, s18, $0xb8;
	[tilespmem:$0x17D80] =	vst v63  }
0x35: {  	_ =	swait.ge [sflag:s16], $0x4000  }
0x36: {  	s28 =	sshrl.u32 s25, $0x3;
	[sflag:s16] =	ssyncset.done $0x0  }
0x37: {  	s28 =	sadd.s32 s1, s28;
	[sflag:s16] =	ssyncadd.s32 $0xFFFFC000  }
0x38: {  	[tilespmem:s4], [sflag:$0x1] =	stream.linear.gather [hbm4b:s28+s4], $0x80, $0x38;
	[tilespmem:$0x17D80] =	vst v63  }
0x39: {  	_ =	swait.ge [sflag:s20], $0x80  }
0x3a: {  	[sflag:s20] =	ssyncset.done $0x0  }
.Ltmp0:
0x3b: {  	[sflag:s20] =	ssyncadd.s32 $0xFFFFFF80;
	(pc) =	sbr.rel @p0 .LBB2_2-.Ltmp0, $4  }
0x3c: {  	[spmem:s2] =	stream.indirect.scatter.add.f32 [tilespmem:s17], [sflag:$0x3], $0x80, s18, s18, $0xb8;
	[tilespmem:$0x17D80] =	vst v63  }
0x3d: {  	_ =	swait.ge [sflag:s16], $0x4000  }
0x3e: {  	[sflag:s16] =	ssyncset.done $0x0  }
0x3f: {  	s25 =	sadd.s32 $0x100, s25;
	s26 =	sadd.s32 s26, s13;
	[sflag:s16] =	ssyncadd.s32 $0xFFFFC000  }
0x40: {  	[tilespmem:s18], [sflag:$0x2] =	stream.linear.gather [hbm4b:s26+s4], $0x80, $0x38;
	[tilespmem:$0x17D80] =	vst v63  }
0x41: {  	_ =	swait.ge [sflag:s19], $0x80  }
0x42: {  	[sflag:s19] =	ssyncset.done $0x0  }
0x43: {  	[sflag:s19] =	ssyncadd.s32 $0xFFFFFF80  }
0x44: {  	[spmem:s2] =	stream.indirect.scatter.add.f32 [tilespmem:s17], [sflag:$0x3], $0x80, s4, s18, $0xb8;
	[tilespmem:$0x17D80] =	vst v63  }
0x45: {  	_ =	swait.ge [sflag:s16], $0x4000  }
0x46: {  	[sflag:s16] =	ssyncset.done $0x0  }
0x47: {  	[sflag:s16] =	ssyncadd.s32 $0xFFFFC000  }
0x48: {  	_ =	swait.ge [sflag:s20], $0x80  }
0x49: {  	[sflag:s20] =	ssyncset.done $0x0  }
0x4a: {  	[sflag:s20] =	ssyncadd.s32 $0xFFFFFF80  }
0x4b: {  	[spmem:s2] =	stream.indirect.scatter.add.f32 [tilespmem:s17], [sflag:$0x3], $0x80, s18, s18, $0xb8;
	[tilespmem:$0x17D80] =	vst v63  }
0x4c: {  	_ =	swait.ge [sflag:s16], $0x4000  }
0x4d: {  	[sflag:s16] =	ssyncset.done $0x0  }
0x4e: {  	[sflag:s16] =	ssyncadd.s32 $0xFFFFC000  }
0x4f: {  	[tilespmem:s21], [sflag:$0x3] =	stream.linear.gather [hbm4b:s10+s4], $0x10, $0x38;
	[tilespmem:$0x17D80] =	vst v63  }
0x50: {  	_ =	swait.ge [sflag:s16], $0x10  }
0x51: {  	[sflag:s16] =	ssyncset.done $0x0  }
0x52: {  	[sflag:s16] =	ssyncadd.s32 $0xFFFFFFF0  }
0x53: {  	[spmem:s2] =	stream.indirect.scatter.add.f32 [tilespmem:s17], [sflag:$0x3], $0x80, s21, s22, $0xb8;
	[tilespmem:$0x17D80] =	vst v63  }
0x54: {  	_ =	swait.ge [sflag:s16], $0x800  }
0x55: {  	s23 =	sadd.s32 $0x1, s23;
	[sflag:s16] =	ssyncset.done $0x0  }
0x56: {  	p0 =	sne.s32 s23, s12;
	[sflag:s16] =	ssyncadd.s32 $0xFFFFF800  }
.Ltmp1:
0x57: {  	[bflag:$0x0] =	sbarrier.arrive $0xFFFF;
	(pc) =	sbr.rel @p0 .LBB2_1-.Ltmp1, $4  }
0x58: {  	[hbm:s11], [sflag:s8] =	dma.local [spmem:s15], $0x2780  }
0x59: {  	_ =	swait.ge [sflag:s16], $0x2780  }
0x5a: {  	[sflag:s16] =	ssyncset.done $0x0  }
0x5b: {  	[sflag:s16] =	ssyncadd.s32 $0xFFFFD880  }
0x5c: {  	_ =	sfence.sel $0x180000  }
0x5d: {  	[bflag:$0x0] =	sbarrier.arrive $0xFFFF  }
0x5e: {  	p0 =	sne.s32 s3, $0x0;
	_ =	strace $0x9000004A  }
0x5f: {  	s0 =	sadd.s32 @!p0 $0x100000, s0;
	[bflag:$0x2] =	sbarrier.arrive $0xFFFF  }
0x60: {  	[sflag:s0] =	ssyncadd.tile.s32 @!p0 $0x1;
	_ =	shalt  }
.Lfunc_end2:
_tile_overlayer_lowered:
.L_overlay_start_2:
0x61: {  	(tag) =	ssettag $0x2  }
0x62: {  	s0 =	rddreg [dreg:$0x0];
	s2 =	stileid.u32  }
0x63: {  	s1 =	rddreg [dreg:$0x1];
	p0 =	sne.s32 s2, $0x0  }
0x64: {  	s3 =	rddreg [dreg:$0x2];
	[bflag:$0x3] =	sbarrier.arrive $0xFFFF;
	s2 =	simm.s32 @!p0 $0x1C03  }
0x65: {  	[timem:s3], [sflag:s2] =	dma.local @!p0 [hbm:s0], s1  }
0x66: {  	s0 =	simm.s32 @!p0 $0x3  }
0x67: {  	_ =	swait.ge @!p0 [sflag:s0], s1  }
0x68: {  	s1 =	ssub.s32 @!p0 $0x0, s1;
	[sflag:s0] =	ssyncset.done @!p0 $0x0  }
0x69: {  	[sflag:s0] =	ssyncadd.s32 @!p0 s1  }
0x6a: {  	[bflag:$0x3] =	sbarrier.arrive $0xFFFF  }
0x6b: {  	_ =	shalt  }

</sc_bundles>
